<compile_context>
chip_gen: v7x
topology: tpu7x:2x2x1
jax: 0.10.2.dev20260603
libtpu: 0.0.44.dev20260713+nightly
codegen_flags: <defaults>
</compile_context>

<pallas_src>
import functools

import jax
import jax.numpy as jnp
from jax import lax
from jax.experimental import pallas as pl
from jax.experimental.pallas import tpu as pltpu
from jax.experimental.pallas import tpu_sc as plsc

_NC = 2
_NS = 16
_NW = _NC * _NS

_G = 128
_B = 5
_AHEAD = 4



def _sc_aggregate(x, src, dst1d, *, k):
    n, f = x.shape
    e = src.shape[0]
    epw = e // _NW
    nh = 2
    eph = epw // nh
    iters = eph // k
    rpt = (n // (_NS * 8)) * 8
    rem = n - _NS * rpt

    mesh = plsc.VectorSubcoreMesh(core_axis_name="c", subcore_axis_name="s")

    @functools.partial(
        pl.kernel,
        mesh=mesh,
        out_type=jax.ShapeDtypeStruct((_NC, n, f), jnp.float32),
        scratch_types=[
            pltpu.VMEM_SHARED((n, f), jnp.float32),
            pltpu.VMEM((eph,), jnp.int32),
            pltpu.VMEM((eph,), jnp.int32),
        ] + [pltpu.VMEM((k, f), jnp.float32) for _ in range(_B)]
          + [pltpu.SemaphoreType.DMA for _ in range(2 * _B + 1)],
    )
    def body(x_hbm, src_hbm, dst_hbm, out_hbm, acc, src_v, dst_v, *bufs):
        rows = bufs[:_B]
        sg = bufs[_B:2 * _B]
        ss = bufs[2 * _B:3 * _B]
        sem_i = bufs[3 * _B]

        c = lax.axis_index("c")
        s = lax.axis_index("s")
        w = s * _NC + c
        row0 = s * rpt

        def stage_idx(h):
            pltpu.async_copy(src_hbm.at[pl.ds(w * epw + h * eph, eph)],
                             src_v, sem_i)
            pltpu.async_copy(dst_hbm.at[pl.ds(w * epw + h * eph, eph)],
                             dst_v, sem_i)
            pltpu.make_async_copy(src_hbm.at[pl.ds(w * epw + h * eph, eph)],
                                  src_v, sem_i).wait()
            pltpu.make_async_copy(dst_hbm.at[pl.ds(w * epw + h * eph, eph)],
                                  dst_v, sem_i).wait()

        stage_idx(0)

        pltpu.async_copy(x_hbm.at[pl.ds(row0, rpt)],
                         acc.at[pl.ds(row0, rpt)], sem_i)

        @pl.when(s == _NS - 1)
        def _():
            pltpu.async_copy(x_hbm.at[pl.ds(_NS * rpt, rem)],
                             acc.at[pl.ds(_NS * rpt, rem)], sem_i)

        for u in range(_AHEAD):
            pltpu.async_copy(x_hbm.at[src_v.at[pl.ds(u * k, k)]],
                             rows[u], sg[u])

        pltpu.make_async_copy(x_hbm.at[pl.ds(row0, rpt)],
                              acc.at[pl.ds(row0, rpt)], sem_i).wait()

        @pl.when(s == _NS - 1)
        def _():
            pltpu.make_async_copy(x_hbm.at[pl.ds(_NS * rpt, rem)],
                                  acc.at[pl.ds(_NS * rpt, rem)], sem_i).wait()

        plsc.subcore_barrier()

        def group(g, carry):
            for u in range(_B):
                i = g * _B + u

                @pl.when(i < iters)
                def _():
                    pltpu.make_async_copy(
                        x_hbm.at[src_v.at[pl.ds(i * k, k)]],
                        rows[u], sg[u]).wait()
                    pltpu.async_copy(rows[u], acc.at[dst_v.at[pl.ds(i * k, k)]], ss[u],
                                     add=True)
                    v = (u + _AHEAD) % _B
                    j = i + _AHEAD

                    @pl.when(j < iters)
                    def _():
                        @pl.when(j >= _B)
                        def _():
                            pltpu.make_async_copy(
                                rows[v], acc.at[dst_v.at[pl.ds((j - _B) * k, k)]],
                                ss[v]).wait()
                        pltpu.async_copy(
                            x_hbm.at[src_v.at[pl.ds(j * k, k)]],
                            rows[v], sg[v])
            return carry

        def drain_scatters():
            for u in range(_B):
                pltpu.make_async_copy(rows[u],
                                      acc.at[dst_v.at[pl.ds((iters - _B + u) * k, k)]],
                                      ss[u]).wait()

        for h in range(nh):
            if h > 0:
                stage_idx(h)
                for u in range(_AHEAD):
                    pltpu.async_copy(x_hbm.at[src_v.at[pl.ds(u * k, k)]],
                                     rows[u], sg[u])
            lax.fori_loop(0, (iters + _B - 1) // _B, group, 0)
            drain_scatters()

        plsc.subcore_barrier()

        pltpu.sync_copy(acc.at[pl.ds(row0, rpt)],
                        out_hbm.at[c, pl.ds(row0, rpt)])

        @pl.when(s == _NS - 1)
        def _():
            pltpu.sync_copy(acc.at[pl.ds(_NS * rpt, rem)],
                            out_hbm.at[c, pl.ds(_NS * rpt, rem)])

    return body(x, src, dst1d)



def _tc_body(p_ref, x_ref, batch_ref, w1_ref, b1_ref, w2_ref, b2_ref, gw_ref,
             gb_ref, gam_ref, bet_ref, lw_ref, lb_ref, o_ref):
    hp = p_ref[0] + p_ref[1] - x_ref[...]
    h = jnp.dot(hp, w1_ref[...], preferred_element_type=jnp.float32)
    h = jnp.maximum(h + b1_ref[...], 0.0)
    h = jnp.dot(h, w2_ref[...], preferred_element_type=jnp.float32)
    h = jnp.maximum(h + b2_ref[...], 0.0)

    gate = jnp.sum(h * gw_ref[...], axis=1, keepdims=True) + gb_ref[0, 0]

    gids = lax.broadcasted_iota(jnp.int32, (1, _G), 1)
    onehot = batch_ref[...] == gids

    neg_inf = jnp.float32(-jnp.inf)
    gmax = jnp.max(jnp.where(onehot, gate, neg_inf), axis=0, keepdims=True)
    gmax = jnp.where(gmax == neg_inf, 0.0, gmax)
    gmax_pn = jnp.sum(jnp.where(onehot, gmax, 0.0), axis=1, keepdims=True)
    e = jnp.exp(gate - gmax_pn)
    denom = jnp.sum(jnp.where(onehot, e, 0.0), axis=0, keepdims=True)
    denom_pn = jnp.sum(jnp.where(onehot, denom, 0.0), axis=1, keepdims=True)
    alpha = e / (denom_pn + 1e-16)

    pooled = lax.dot_general(onehot.astype(jnp.float32), alpha * h,
                             (((0,), (0,)), ((), ())),
                             preferred_element_type=jnp.float32)

    mean = jnp.mean(pooled, axis=0, keepdims=True)
    var = jnp.mean((pooled - mean) ** 2, axis=0, keepdims=True)
    pooled = ((pooled - mean) / jnp.sqrt(var + 1e-5)) * gam_ref[...] \
        + bet_ref[...]

    out = jnp.dot(pooled, lw_ref[...], preferred_element_type=jnp.float32)
    out = out + lb_ref[...]
    m = jnp.max(out, axis=1, keepdims=True)
    z = out - m
    o_ref[...] = z - jnp.log(jnp.sum(jnp.exp(z), axis=1, keepdims=True))


def _tc_tail(parts, x, batch2d, W1, b1, W2, b2, gate_W, gate_b,
             bn_gamma, bn_beta, lin2_W, lin2_b):
    c = lin2_W.shape[1]
    return pl.pallas_call(
        _tc_body,
        out_shape=jax.ShapeDtypeStruct((_G, c), jnp.float32),
    )(parts, x, batch2d,
      W1, b1.reshape(1, -1), W2, b2.reshape(1, -1),
      gate_W.reshape(1, -1), gate_b.reshape(1, 1),
      bn_gamma.reshape(1, -1), bn_beta.reshape(1, -1),
      lin2_W, lin2_b.reshape(1, -1))


def kernel(x, edge_index, batch, W1, b1, W2, b2, gate_W, gate_b,
           bn_gamma, bn_beta, lin2_W, lin2_b):
    k = 40
    src = edge_index[0]
    dst1d = edge_index[1]
    parts = _sc_aggregate(x, src, dst1d, k=k)
    return _tc_tail(parts, x, batch.reshape(-1, 1), W1, b1, W2, b2,
                    gate_W, gate_b, bn_gamma, bn_beta, lin2_W, lin2_b)

# --- scband reference (transcript-rebuilt; emitter-appended) ---
"""Pipeline reference for scband-model-81509889343513 (READ-ONLY COPY).

The authoritative reference and input builder live on the scoring server;
editing this copy changes nothing except your own understanding.
"""

import jax, jax.numpy as jnp
import numpy as np

N = 10000
E = 320000
F = 128
H = 128
C = 10
G = 128


def setup_inputs(seed: int = 0) -> dict:
    key = jax.random.key(seed)
    ks = jax.random.split(key, 16)
    x = jax.random.normal(ks[0], (N, F), dtype=jnp.float32)
    edge_index = jax.random.randint(ks[1], (2, E), 0, N, dtype=jnp.int32)
    batch = jnp.sort(jax.random.randint(ks[2], (N,), 0, G, dtype=jnp.int32))
    W1 = jax.random.normal(ks[3], (F, H), dtype=jnp.float32) * 0.05
    b1 = jnp.zeros((H,), dtype=jnp.float32)
    W2 = jax.random.normal(ks[4], (H, H), dtype=jnp.float32) * 0.05
    b2 = jnp.zeros((H,), dtype=jnp.float32)
    gate_W = jax.random.normal(ks[5], (H, 1), dtype=jnp.float32) * 0.05
    gate_b = jnp.zeros((1,), dtype=jnp.float32)
    bn_gamma = jnp.ones((H,), dtype=jnp.float32)
    bn_beta = jnp.zeros((H,), dtype=jnp.float32)
    lin2_W = jax.random.normal(ks[6], (H, C), dtype=jnp.float32) * 0.05
    lin2_b = jnp.zeros((C,), dtype=jnp.float32)
    return {"x": x, "edge_index": edge_index, "batch": batch,
            "W1": W1, "b1": b1, "W2": W2, "b2": b2,
            "gate_W": gate_W, "gate_b": gate_b,
            "bn_gamma": bn_gamma, "bn_beta": bn_beta,
            "lin2_W": lin2_W, "lin2_b": lin2_b}


def reference(x, edge_index, batch, W1, b1, W2, b2, gate_W, gate_b, bn_gamma, bn_beta, lin2_W, lin2_b):
    src = edge_index[0]
    dst = edge_index[1]
    # GINConv with eps=0: h_i = MLP((1+eps)*x_i + sum_{j in N(i)} x_j)
    agg = jax.ops.segment_sum(x[src], dst, num_segments=N)
    h = x + agg
    h = jax.nn.relu(h @ W1 + b1) @ W2 + b2
    h = jax.nn.relu(h)
    # AttentionalAggregation: softmax(gate_nn(h)) per-graph, weighted sum
    gate = h @ gate_W + gate_b  # [N, 1]
    gmax = jax.ops.segment_max(gate, batch, num_segments=G)
    gmax = jnp.where(jnp.isfinite(gmax), gmax, 0.0)
    e = jnp.exp(gate - gmax[batch])
    denom = jax.ops.segment_sum(e, batch, num_segments=G)
    alpha = e / (denom[batch] + 1e-16)
    pooled = jax.ops.segment_sum(alpha * h, batch, num_segments=G)  # [G, H]
    # BatchNorm1d (training-mode batch statistics)
    mean = jnp.mean(pooled, axis=0)
    var = jnp.var(pooled, axis=0)
    pooled = (pooled - mean) / jnp.sqrt(var + 1e-5) * bn_gamma + bn_beta
    # dropout is identity in eval mode
    out = pooled @ lin2_W + lin2_b
    return jax.nn.log_softmax(out, axis=-1)

if __name__ == "__main__":
    import jax
    _d = setup_inputs()
    print(jax.jit(kernel)(*tuple(_d.values())))

</pallas_src>

<mosaic_0001>
#map = affine_map<(d0, d1) -> (0, 0)>
#map1 = affine_map<(d0, d1) -> (0)>
#map2 = affine_map<(d0, d1) -> (0, 0, 0)>
module attributes {stable_mosaic.version = 14 : i64} {
  func.func @body(%arg0: i32, %arg1: i32, %arg2: memref<10000x128xf32, #tpu.memory_space<hbm>>, %arg3: memref<320000xi32, #tpu.memory_space<hbm>>, %arg4: memref<320000xi32, #tpu.memory_space<hbm>>, %arg5: memref<2x10000x128xf32, #tpu.memory_space<hbm>>, %arg6: memref<10000x128xf32, #tpu.memory_space<vmem_shared>>, %arg7: memref<5000xi32, #tpu.memory_space<vmem>>, %arg8: memref<5000xi32, #tpu.memory_space<vmem>>, %arg9: memref<40x128xf32, #tpu.memory_space<vmem>>, %arg10: memref<40x128xf32, #tpu.memory_space<vmem>>, %arg11: memref<40x128xf32, #tpu.memory_space<vmem>>, %arg12: memref<40x128xf32, #tpu.memory_space<vmem>>, %arg13: memref<40x128xf32, #tpu.memory_space<vmem>>, %arg14: memref<!tpu.dma_semaphore, #tpu.memory_space<semaphore_mem>>, %arg15: memref<!tpu.dma_semaphore, #tpu.memory_space<semaphore_mem>>, %arg16: memref<!tpu.dma_semaphore, #tpu.memory_space<semaphore_mem>>, %arg17: memref<!tpu.dma_semaphore, #tpu.memory_space<semaphore_mem>>, %arg18: memref<!tpu.dma_semaphore, #tpu.memory_space<semaphore_mem>>, %arg19: memref<!tpu.dma_semaphore, #tpu.memory_space<semaphore_mem>>, %arg20: memref<!tpu.dma_semaphore, #tpu.memory_space<semaphore_mem>>, %arg21: memref<!tpu.dma_semaphore, #tpu.memory_space<semaphore_mem>>, %arg22: memref<!tpu.dma_semaphore, #tpu.memory_space<semaphore_mem>>, %arg23: memref<!tpu.dma_semaphore, #tpu.memory_space<semaphore_mem>>, %arg24: memref<!tpu.dma_semaphore, #tpu.memory_space<semaphore_mem>>) attributes {dimension_semantics = [#tpu.dimension_semantics<core_parallel>, #tpu.dimension_semantics<subcore_parallel>], iteration_bounds = array<i64: 2, 16>, scalar_prefetch = 0 : i64, scratch_operands = 19 : i64, tpu.core_type = #tpu.core_type<sc_vector_subcore>, window_params = [{transform_indices = #map}, {transform_indices = #map1}, {transform_indices = #map1}, {transform_indices = #map2}]} {
    %mul3A = arith.constant 2 : i32
    %mul3A_0 = arith.muli %arg1, %mul3A : i32
    %add3A = arith.addi %mul3A_0, %arg0 : i32
    %mul3A_1 = arith.constant 624 : i32
    %mul3A_2 = arith.muli %arg1, %mul3A_1 : i32
    %mul3A_3 = arith.constant 10000 : i32
    %mul3A_4 = arith.muli %add3A, %mul3A_3 : i32
    %add3A_5 = arith.constant 0 : i32
    %add3A_6 = arith.addi %mul3A_4, %add3A_5 : i32
    %dma_start3A = tpu.memref_slice %arg3[%add3A_6] : memref<320000xi32, #tpu.memory_space<hbm>> -> memref<5000xi32, #tpu.memory_space<hbm>>
    %dma_start3A_7 = tpu.memref_slice %arg3[%add3A_6] : memref<320000xi32, #tpu.memory_space<hbm>> -> memref<5000xi32, #tpu.memory_space<hbm>>
    tpu.enqueue_dma source(%dma_start3A_7 : memref<5000xi32, #tpu.memory_space<hbm>>) target(%arg7 : memref<5000xi32, #tpu.memory_space<vmem>>) target_semaphore(%arg24 : memref<!tpu.dma_semaphore, #tpu.memory_space<semaphore_mem>>)
    %mul3A_8 = arith.constant 10000 : i32
    %mul3A_9 = arith.muli %add3A, %mul3A_8 : i32
    %add3A_10 = arith.constant 0 : i32
    %add3A_11 = arith.addi %mul3A_9, %add3A_10 : i32
    %dma_start3A_12 = tpu.memref_slice %arg4[%add3A_11] : memref<320000xi32, #tpu.memory_space<hbm>> -> memref<5000xi32, #tpu.memory_space<hbm>>
    %dma_start3A_13 = tpu.memref_slice %arg4[%add3A_11] : memref<320000xi32, #tpu.memory_space<hbm>> -> memref<5000xi32, #tpu.memory_space<hbm>>
    tpu.enqueue_dma source(%dma_start3A_13 : memref<5000xi32, #tpu.memory_space<hbm>>) target(%arg8 : memref<5000xi32, #tpu.memory_space<vmem>>) target_semaphore(%arg24 : memref<!tpu.dma_semaphore, #tpu.memory_space<semaphore_mem>>)
    %mul3A_14 = arith.constant 10000 : i32
    %mul3A_15 = arith.muli %add3A, %mul3A_14 : i32
    %add3A_16 = arith.constant 0 : i32
    %add3A_17 = arith.addi %mul3A_15, %add3A_16 : i32
    %dma_wait3A = tpu.memref_slice %arg3[%add3A_17] : memref<320000xi32, #tpu.memory_space<hbm>> -> memref<5000xi32, #tpu.memory_space<hbm>>
    %dma_wait3A_18 = tpu.memref_slice %arg3[%add3A_17] : memref<320000xi32, #tpu.memory_space<hbm>> -> memref<5000xi32, #tpu.memory_space<hbm>>
    tpu.wait_dma2 semaphore(%arg24 : memref<!tpu.dma_semaphore, #tpu.memory_space<semaphore_mem>>) src(%dma_wait3A_18 : memref<5000xi32, #tpu.memory_space<hbm>>) dst(%arg7 : memref<5000xi32, #tpu.memory_space<vmem>>)
    %mul3A_19 = arith.constant 10000 : i32
    %mul3A_20 = arith.muli %add3A, %mul3A_19 : i32
    %add3A_21 = arith.constant 0 : i32
    %add3A_22 = arith.addi %mul3A_20, %add3A_21 : i32
    %dma_wait3A_23 = tpu.memref_slice %arg4[%add3A_22] : memref<320000xi32, #tpu.memory_space<hbm>> -> memref<5000xi32, #tpu.memory_space<hbm>>
    %dma_wait3A_24 = tpu.memref_slice %arg4[%add3A_22] : memref<320000xi32, #tpu.memory_space<hbm>> -> memref<5000xi32, #tpu.memory_space<hbm>>
    tpu.wait_dma2 semaphore(%arg24 : memref<!tpu.dma_semaphore, #tpu.memory_space<semaphore_mem>>) src(%dma_wait3A_24 : memref<5000xi32, #tpu.memory_space<hbm>>) dst(%arg8 : memref<5000xi32, #tpu.memory_space<vmem>>)
    %dma_start3A_25 = arith.constant 0 : i32
    %dma_start3A_26 = tpu.memref_slice %arg6[%mul3A_2, %dma_start3A_25] : memref<10000x128xf32, #tpu.memory_space<vmem_shared>> -> memref<624x128xf32, #tpu.memory_space<vmem_shared>>
    %dma_start3A_27 = arith.constant 0 : i32
    %dma_start3A_28 = tpu.memref_slice %arg2[%mul3A_2, %dma_start3A_27] : memref<10000x128xf32, #tpu.memory_space<hbm>> -> memref<624x128xf32, #tpu.memory_space<hbm>>
    tpu.enqueue_dma source(%dma_start3A_28 : memref<624x128xf32, #tpu.memory_space<hbm>>) target(%dma_start3A_26 : memref<624x128xf32, #tpu.memory_space<vmem_shared>>) target_semaphore(%arg24 : memref<!tpu.dma_semaphore, #tpu.memory_space<semaphore_mem>>)
    %eq3A = arith.constant 15 : i32
    %eq3A_29 = arith.cmpi eq, %arg1, %eq3A : i32
    %convert_element_type3A = arith.extui %eq3A_29 : i1 to i32
    %cond3A = arith.constant 0 : i32
    %cond3A_30 = arith.cmpi ne, %convert_element_type3A, %cond3A : i32
    scf.if %cond3A_30 {
      %dma_start3A_171 = arith.constant 9984 : i32
      %dma_start3A_172 = arith.constant 0 : i32
      %dma_start3A_173 = tpu.memref_slice %arg6[%dma_start3A_171, %dma_start3A_172] : memref<10000x128xf32, #tpu.memory_space<vmem_shared>> -> memref<16x128xf32, #tpu.memory_space<vmem_shared>>
      %dma_start3A_174 = arith.constant 9984 : i32
      %dma_start3A_175 = arith.constant 0 : i32
      %dma_start3A_176 = tpu.memref_slice %arg2[%dma_start3A_174, %dma_start3A_175] : memref<10000x128xf32, #tpu.memory_space<hbm>> -> memref<16x128xf32, #tpu.memory_space<hbm>>
      tpu.enqueue_dma source(%dma_start3A_176 : memref<16x128xf32, #tpu.memory_space<hbm>>) target(%dma_start3A_173 : memref<16x128xf32, #tpu.memory_space<vmem_shared>>) target_semaphore(%arg24 : memref<!tpu.dma_semaphore, #tpu.memory_space<semaphore_mem>>)
    } else {
    }
    %dma_start3A_31 = arith.constant 0 : i32
    %dma_start3A_32 = tpu.memref_slice %arg7[%dma_start3A_31] : memref<5000xi32, #tpu.memory_space<vmem>> -> memref<40xi32, #tpu.memory_space<vmem>>
    %dma_start3A_33 = arith.constant 0 : i32
    %dma_start3A_34 = arith.constant 0 : i32
    %dma_start3A_35 = tpu.memref_slice %arg2[%dma_start3A_33, %dma_start3A_34] : memref<10000x128xf32, #tpu.memory_space<hbm>> -> memref<10000x128xf32, #tpu.memory_space<hbm>>
    tpu.enqueue_indirect_dma source(%dma_start3A_35 : memref<10000x128xf32, #tpu.memory_space<hbm>>) target(%arg9 : memref<40x128xf32, #tpu.memory_space<vmem>>) offsets(%dma_start3A_32 : memref<40xi32, #tpu.memory_space<vmem>>) semaphore(%arg14 : memref<!tpu.dma_semaphore, #tpu.memory_space<semaphore_mem>>)
    %dma_start3A_36 = arith.constant 40 : i32
    %dma_start3A_37 = tpu.memref_slice %arg7[%dma_start3A_36] : memref<5000xi32, #tpu.memory_space<vmem>> -> memref<40xi32, #tpu.memory_space<vmem>>
    %dma_start3A_38 = arith.constant 0 : i32
    %dma_start3A_39 = arith.constant 0 : i32
    %dma_start3A_40 = tpu.memref_slice %arg2[%dma_start3A_38, %dma_start3A_39] : memref<10000x128xf32, #tpu.memory_space<hbm>> -> memref<10000x128xf32, #tpu.memory_space<hbm>>
    tpu.enqueue_indirect_dma source(%dma_start3A_40 : memref<10000x128xf32, #tpu.memory_space<hbm>>) target(%arg10 : memref<40x128xf32, #tpu.memory_space<vmem>>) offsets(%dma_start3A_37 : memref<40xi32, #tpu.memory_space<vmem>>) semaphore(%arg15 : memref<!tpu.dma_semaphore, #tpu.memory_space<semaphore_mem>>)
    %dma_start3A_41 = arith.constant 80 : i32
    %dma_start3A_42 = tpu.memref_slice %arg7[%dma_start3A_41] : memref<5000xi32, #tpu.memory_space<vmem>> -> memref<40xi32, #tpu.memory_space<vmem>>
    %dma_start3A_43 = arith.constant 0 : i32
    %dma_start3A_44 = arith.constant 0 : i32
    %dma_start3A_45 = tpu.memref_slice %arg2[%dma_start3A_43, %dma_start3A_44] : memref<10000x128xf32, #tpu.memory_space<hbm>> -> memref<10000x128xf32, #tpu.memory_space<hbm>>
    tpu.enqueue_indirect_dma source(%dma_start3A_45 : memref<10000x128xf32, #tpu.memory_space<hbm>>) target(%arg11 : memref<40x128xf32, #tpu.memory_space<vmem>>) offsets(%dma_start3A_42 : memref<40xi32, #tpu.memory_space<vmem>>) semaphore(%arg16 : memref<!tpu.dma_semaphore, #tpu.memory_space<semaphore_mem>>)
    %dma_start3A_46 = arith.constant 120 : i32
    %dma_start3A_47 = tpu.memref_slice %arg7[%dma_start3A_46] : memref<5000xi32, #tpu.memory_space<vmem>> -> memref<40xi32, #tpu.memory_space<vmem>>
    %dma_start3A_48 = arith.constant 0 : i32
    %dma_start3A_49 = arith.constant 0 : i32
    %dma_start3A_50 = tpu.memref_slice %arg2[%dma_start3A_48, %dma_start3A_49] : memref<10000x128xf32, #tpu.memory_space<hbm>> -> memref<10000x128xf32, #tpu.memory_space<hbm>>
    tpu.enqueue_indirect_dma source(%dma_start3A_50 : memref<10000x128xf32, #tpu.memory_space<hbm>>) target(%arg12 : memref<40x128xf32, #tpu.memory_space<vmem>>) offsets(%dma_start3A_47 : memref<40xi32, #tpu.memory_space<vmem>>) semaphore(%arg17 : memref<!tpu.dma_semaphore, #tpu.memory_space<semaphore_mem>>)
    %dma_wait3A_51 = arith.constant 0 : i32
    %dma_wait3A_52 = tpu.memref_slice %arg6[%mul3A_2, %dma_wait3A_51] : memref<10000x128xf32, #tpu.memory_space<vmem_shared>> -> memref<624x128xf32, #tpu.memory_space<vmem_shared>>
    %dma_wait3A_53 = arith.constant 0 : i32
    %dma_wait3A_54 = tpu.memref_slice %arg2[%mul3A_2, %dma_wait3A_53] : memref<10000x128xf32, #tpu.memory_space<hbm>> -> memref<624x128xf32, #tpu.memory_space<hbm>>
    tpu.wait_dma2 semaphore(%arg24 : memref<!tpu.dma_semaphore, #tpu.memory_space<semaphore_mem>>) src(%dma_wait3A_54 : memref<624x128xf32, #tpu.memory_space<hbm>>) dst(%dma_wait3A_52 : memref<624x128xf32, #tpu.memory_space<vmem_shared>>)
    %eq3A_55 = arith.constant 15 : i32
    %eq3A_56 = arith.cmpi eq, %arg1, %eq3A_55 : i32
    %convert_element_type3A_57 = arith.extui %eq3A_56 : i1 to i32
    %cond3A_58 = arith.constant 0 : i32
    %cond3A_59 = arith.cmpi ne, %convert_element_type3A_57, %cond3A_58 : i32
    scf.if %cond3A_59 {
      %dma_wait3A_171 = arith.constant 9984 : i32
      %dma_wait3A_172 = arith.constant 0 : i32
      %dma_wait3A_173 = tpu.memref_slice %arg6[%dma_wait3A_171, %dma_wait3A_172] : memref<10000x128xf32, #tpu.memory_space<vmem_shared>> -> memref<16x128xf32, #tpu.memory_space<vmem_shared>>
      %dma_wait3A_174 = arith.constant 9984 : i32
      %dma_wait3A_175 = arith.constant 0 : i32
      %dma_wait3A_176 = tpu.memref_slice %arg2[%dma_wait3A_174, %dma_wait3A_175] : memref<10000x128xf32, #tpu.memory_space<hbm>> -> memref<16x128xf32, #tpu.memory_space<hbm>>
      tpu.wait_dma2 semaphore(%arg24 : memref<!tpu.dma_semaphore, #tpu.memory_space<semaphore_mem>>) src(%dma_wait3A_176 : memref<16x128xf32, #tpu.memory_space<hbm>>) dst(%dma_wait3A_173 : memref<16x128xf32, #tpu.memory_space<vmem_shared>>)
    } else {
    }
    %barrier3A = arith.constant 0 : index
    tpu.barrier barrier_id(%barrier3A)
    %scan3A = arith.constant 0 : i32
    %scan3A_60 = arith.constant 0 : i32
    %scan3A_61 = arith.constant 25 : i32
    %scan3A_62 = arith.addi %scan3A_60, %scan3A_61 : i32
    %scan3A_63 = arith.constant 1 : i32
    scf.for %scan3A_171 = %scan3A_60 to %scan3A_62 step %scan3A_63  : i32 {
      %mul3A_172 = arith.constant 5 : i32
      %mul3A_173 = arith.muli %scan3A_171, %mul3A_172 : i32
      %add3A_174 = arith.constant 0 : i32
      %add3A_175 = arith.addi %mul3A_173, %add3A_174 : i32
      %lt3A = arith.constant 125 : i32
      %lt3A_176 = arith.cmpi slt, %add3A_175, %lt3A : i32
      %convert_element_type3A_177 = arith.extui %lt3A_176 : i1 to i32
      %cond3A_178 = arith.constant 0 : i32
      %cond3A_179 = arith.cmpi ne, %convert_element_type3A_177, %cond3A_178 : i32
      scf.if %cond3A_179 {
        %mul3A_216 = arith.constant 40 : i32
        %mul3A_217 = arith.muli %add3A_175, %mul3A_216 : i32
        %dma_wait3A_218 = tpu.memref_slice %arg7[%mul3A_217] : memref<5000xi32, #tpu.memory_space<vmem>> -> memref<40xi32, #tpu.memory_space<vmem>>
        %dma_wait3A_219 = arith.constant 0 : i32
        %dma_wait3A_220 = arith.constant 0 : i32
        %dma_wait3A_221 = tpu.memref_slice %arg2[%dma_wait3A_219, %dma_wait3A_220] : memref<10000x128xf32, #tpu.memory_space<hbm>> -> memref<10000x128xf32, #tpu.memory_space<hbm>>
        tpu.wait_indirect_dma semaphore(%arg14 : memref<!tpu.dma_semaphore, #tpu.memory_space<semaphore_mem>>) src(%dma_wait3A_221 : memref<10000x128xf32, #tpu.memory_space<hbm>>) dst(%arg9 : memref<40x128xf32, #tpu.memory_space<vmem>>)
        %mul3A_222 = arith.constant 40 : i32
        %mul3A_223 = arith.muli %add3A_175, %mul3A_222 : i32
        %dma_start3A_224 = tpu.memref_slice %arg8[%mul3A_223] : memref<5000xi32, #tpu.memory_space<vmem>> -> memref<40xi32, #tpu.memory_space<vmem>>
        %dma_start3A_225 = arith.constant 0 : i32
        %dma_start3A_226 = arith.constant 0 : i32
        %dma_start3A_227 = tpu.memref_slice %arg6[%dma_start3A_225, %dma_start3A_226] : memref<10000x128xf32, #tpu.memory_space<vmem_shared>> -> memref<10000x128xf32, #tpu.memory_space<vmem_shared>>
        tpu.enqueue_indirect_dma source(%arg9 : memref<40x128xf32, #tpu.memory_space<vmem>>) target(%dma_start3A_227 : memref<10000x128xf32, #tpu.memory_space<vmem_shared>>) offsets(%dma_start3A_224 : memref<40xi32, #tpu.memory_space<vmem>>) semaphore(%arg19 : memref<!tpu.dma_semaphore, #tpu.memory_space<semaphore_mem>>) {add = true}
        %add3A_228 = arith.constant 4 : i32
        %add3A_229 = arith.addi %add3A_175, %add3A_228 : i32
        %lt3A_230 = arith.constant 125 : i32
        %lt3A_231 = arith.cmpi slt, %add3A_229, %lt3A_230 : i32
        %convert_element_type3A_232 = arith.extui %lt3A_231 : i1 to i32
        %cond3A_233 = arith.constant 0 : i32
        %cond3A_234 = arith.cmpi ne, %convert_element_type3A_232, %cond3A_233 : i32
        scf.if %cond3A_234 {
          %ge3A = arith.constant 5 : i32
          %ge3A_235 = arith.cmpi sge, %add3A_229, %ge3A : i32
          %convert_element_type3A_236 = arith.extui %ge3A_235 : i1 to i32
          %cond3A_237 = arith.constant 0 : i32
          %cond3A_238 = arith.cmpi ne, %convert_element_type3A_236, %cond3A_237 : i32
          scf.if %cond3A_238 {
            %sub3A = arith.constant 5 : i32
            %sub3A_245 = arith.subi %add3A_229, %sub3A : i32
            %mul3A_246 = arith.constant 40 : i32
            %mul3A_247 = arith.muli %sub3A_245, %mul3A_246 : i32
            %dma_wait3A_248 = tpu.memref_slice %arg8[%mul3A_247] : memref<5000xi32, #tpu.memory_space<vmem>> -> memref<40xi32, #tpu.memory_space<vmem>>
            %dma_wait3A_249 = arith.constant 0 : i32
            %dma_wait3A_250 = arith.constant 0 : i32
            %dma_wait3A_251 = tpu.memref_slice %arg6[%dma_wait3A_249, %dma_wait3A_250] : memref<10000x128xf32, #tpu.memory_space<vmem_shared>> -> memref<10000x128xf32, #tpu.memory_space<vmem_shared>>
            tpu.wait_indirect_dma semaphore(%arg23 : memref<!tpu.dma_semaphore, #tpu.memory_space<semaphore_mem>>) src(%arg13 : memref<40x128xf32, #tpu.memory_space<vmem>>) dst(%dma_wait3A_251 : memref<10000x128xf32, #tpu.memory_space<vmem_shared>>)
          } else {
          }
          %mul3A_239 = arith.constant 40 : i32
          %mul3A_240 = arith.muli %add3A_229, %mul3A_239 : i32
          %dma_start3A_241 = tpu.memref_slice %arg7[%mul3A_240] : memref<5000xi32, #tpu.memory_space<vmem>> -> memref<40xi32, #tpu.memory_space<vmem>>
          %dma_start3A_242 = arith.constant 0 : i32
          %dma_start3A_243 = arith.constant 0 : i32
          %dma_start3A_244 = tpu.memref_slice %arg2[%dma_start3A_242, %dma_start3A_243] : memref<10000x128xf32, #tpu.memory_space<hbm>> -> memref<10000x128xf32, #tpu.memory_space<hbm>>
          tpu.enqueue_indirect_dma source(%dma_start3A_244 : memref<10000x128xf32, #tpu.memory_space<hbm>>) target(%arg13 : memref<40x128xf32, #tpu.memory_space<vmem>>) offsets(%dma_start3A_241 : memref<40xi32, #tpu.memory_space<vmem>>) semaphore(%arg18 : memref<!tpu.dma_semaphore, #tpu.memory_space<semaphore_mem>>)
        } else {
        }
      } else {
      }
      %mul3A_180 = arith.constant 5 : i32
      %mul3A_181 = arith.muli %scan3A_171, %mul3A_180 : i32
      %add3A_182 = arith.constant 1 : i32
      %add3A_183 = arith.addi %mul3A_181, %add3A_182 : i32
      %lt3A_184 = arith.constant 125 : i32
      %lt3A_185 = arith.cmpi slt, %add3A_183, %lt3A_184 : i32
      %convert_element_type3A_186 = arith.extui %lt3A_185 : i1 to i32
      %cond3A_187 = arith.constant 0 : i32
      %cond3A_188 = arith.cmpi ne, %convert_element_type3A_186, %cond3A_187 : i32
      scf.if %cond3A_188 {
        %mul3A_216 = arith.constant 40 : i32
        %mul3A_217 = arith.muli %add3A_183, %mul3A_216 : i32
        %dma_wait3A_218 = tpu.memref_slice %arg7[%mul3A_217] : memref<5000xi32, #tpu.memory_space<vmem>> -> memref<40xi32, #tpu.memory_space<vmem>>
        %dma_wait3A_219 = arith.constant 0 : i32
        %dma_wait3A_220 = arith.constant 0 : i32
        %dma_wait3A_221 = tpu.memref_slice %arg2[%dma_wait3A_219, %dma_wait3A_220] : memref<10000x128xf32, #tpu.memory_space<hbm>> -> memref<10000x128xf32, #tpu.memory_space<hbm>>
        tpu.wait_indirect_dma semaphore(%arg15 : memref<!tpu.dma_semaphore, #tpu.memory_space<semaphore_mem>>) src(%dma_wait3A_221 : memref<10000x128xf32, #tpu.memory_space<hbm>>) dst(%arg10 : memref<40x128xf32, #tpu.memory_space<vmem>>)
        %mul3A_222 = arith.constant 40 : i32
        %mul3A_223 = arith.muli %add3A_183, %mul3A_222 : i32
        %dma_start3A_224 = tpu.memref_slice %arg8[%mul3A_223] : memref<5000xi32, #tpu.memory_space<vmem>> -> memref<40xi32, #tpu.memory_space<vmem>>
        %dma_start3A_225 = arith.constant 0 : i32
        %dma_start3A_226 = arith.constant 0 : i32
        %dma_start3A_227 = tpu.memref_slice %arg6[%dma_start3A_225, %dma_start3A_226] : memref<10000x128xf32, #tpu.memory_space<vmem_shared>> -> memref<10000x128xf32, #tpu.memory_space<vmem_shared>>
        tpu.enqueue_indirect_dma source(%arg10 : memref<40x128xf32, #tpu.memory_space<vmem>>) target(%dma_start3A_227 : memref<10000x128xf32, #tpu.memory_space<vmem_shared>>) offsets(%dma_start3A_224 : memref<40xi32, #tpu.memory_space<vmem>>) semaphore(%arg20 : memref<!tpu.dma_semaphore, #tpu.memory_space<semaphore_mem>>) {add = true}
        %add3A_228 = arith.constant 4 : i32
        %add3A_229 = arith.addi %add3A_183, %add3A_228 : i32
        %lt3A_230 = arith.constant 125 : i32
        %lt3A_231 = arith.cmpi slt, %add3A_229, %lt3A_230 : i32
        %convert_element_type3A_232 = arith.extui %lt3A_231 : i1 to i32
        %cond3A_233 = arith.constant 0 : i32
        %cond3A_234 = arith.cmpi ne, %convert_element_type3A_232, %cond3A_233 : i32
        scf.if %cond3A_234 {
          %ge3A = arith.constant 5 : i32
          %ge3A_235 = arith.cmpi sge, %add3A_229, %ge3A : i32
          %convert_element_type3A_236 = arith.extui %ge3A_235 : i1 to i32
          %cond3A_237 = arith.constant 0 : i32
          %cond3A_238 = arith.cmpi ne, %convert_element_type3A_236, %cond3A_237 : i32
          scf.if %cond3A_238 {
            %sub3A = arith.constant 5 : i32
            %sub3A_245 = arith.subi %add3A_229, %sub3A : i32
            %mul3A_246 = arith.constant 40 : i32
            %mul3A_247 = arith.muli %sub3A_245, %mul3A_246 : i32
            %dma_wait3A_248 = tpu.memref_slice %arg8[%mul3A_247] : memref<5000xi32, #tpu.memory_space<vmem>> -> memref<40xi32, #tpu.memory_space<vmem>>
            %dma_wait3A_249 = arith.constant 0 : i32
            %dma_wait3A_250 = arith.constant 0 : i32
            %dma_wait3A_251 = tpu.memref_slice %arg6[%dma_wait3A_249, %dma_wait3A_250] : memref<10000x128xf32, #tpu.memory_space<vmem_shared>> -> memref<10000x128xf32, #tpu.memory_space<vmem_shared>>
            tpu.wait_indirect_dma semaphore(%arg19 : memref<!tpu.dma_semaphore, #tpu.memory_space<semaphore_mem>>) src(%arg9 : memref<40x128xf32, #tpu.memory_space<vmem>>) dst(%dma_wait3A_251 : memref<10000x128xf32, #tpu.memory_space<vmem_shared>>)
          } else {
          }
          %mul3A_239 = arith.constant 40 : i32
          %mul3A_240 = arith.muli %add3A_229, %mul3A_239 : i32
          %dma_start3A_241 = tpu.memref_slice %arg7[%mul3A_240] : memref<5000xi32, #tpu.memory_space<vmem>> -> memref<40xi32, #tpu.memory_space<vmem>>
          %dma_start3A_242 = arith.constant 0 : i32
          %dma_start3A_243 = arith.constant 0 : i32
          %dma_start3A_244 = tpu.memref_slice %arg2[%dma_start3A_242, %dma_start3A_243] : memref<10000x128xf32, #tpu.memory_space<hbm>> -> memref<10000x128xf32, #tpu.memory_space<hbm>>
          tpu.enqueue_indirect_dma source(%dma_start3A_244 : memref<10000x128xf32, #tpu.memory_space<hbm>>) target(%arg9 : memref<40x128xf32, #tpu.memory_space<vmem>>) offsets(%dma_start3A_241 : memref<40xi32, #tpu.memory_space<vmem>>) semaphore(%arg14 : memref<!tpu.dma_semaphore, #tpu.memory_space<semaphore_mem>>)
        } else {
        }
      } else {
      }
      %mul3A_189 = arith.constant 5 : i32
      %mul3A_190 = arith.muli %scan3A_171, %mul3A_189 : i32
      %add3A_191 = arith.constant 2 : i32
      %add3A_192 = arith.addi %mul3A_190, %add3A_191 : i32
      %lt3A_193 = arith.constant 125 : i32
      %lt3A_194 = arith.cmpi slt, %add3A_192, %lt3A_193 : i32
      %convert_element_type3A_195 = arith.extui %lt3A_194 : i1 to i32
      %cond3A_196 = arith.constant 0 : i32
      %cond3A_197 = arith.cmpi ne, %convert_element_type3A_195, %cond3A_196 : i32
      scf.if %cond3A_197 {
        %mul3A_216 = arith.constant 40 : i32
        %mul3A_217 = arith.muli %add3A_192, %mul3A_216 : i32
        %dma_wait3A_218 = tpu.memref_slice %arg7[%mul3A_217] : memref<5000xi32, #tpu.memory_space<vmem>> -> memref<40xi32, #tpu.memory_space<vmem>>
        %dma_wait3A_219 = arith.constant 0 : i32
        %dma_wait3A_220 = arith.constant 0 : i32
        %dma_wait3A_221 = tpu.memref_slice %arg2[%dma_wait3A_219, %dma_wait3A_220] : memref<10000x128xf32, #tpu.memory_space<hbm>> -> memref<10000x128xf32, #tpu.memory_space<hbm>>
        tpu.wait_indirect_dma semaphore(%arg16 : memref<!tpu.dma_semaphore, #tpu.memory_space<semaphore_mem>>) src(%dma_wait3A_221 : memref<10000x128xf32, #tpu.memory_space<hbm>>) dst(%arg11 : memref<40x128xf32, #tpu.memory_space<vmem>>)
        %mul3A_222 = arith.constant 40 : i32
        %mul3A_223 = arith.muli %add3A_192, %mul3A_222 : i32
        %dma_start3A_224 = tpu.memref_slice %arg8[%mul3A_223] : memref<5000xi32, #tpu.memory_space<vmem>> -> memref<40xi32, #tpu.memory_space<vmem>>
        %dma_start3A_225 = arith.constant 0 : i32
        %dma_start3A_226 = arith.constant 0 : i32
        %dma_start3A_227 = tpu.memref_slice %arg6[%dma_start3A_225, %dma_start3A_226] : memref<10000x128xf32, #tpu.memory_space<vmem_shared>> -> memref<10000x128xf32, #tpu.memory_space<vmem_shared>>
        tpu.enqueue_indirect_dma source(%arg11 : memref<40x128xf32, #tpu.memory_space<vmem>>) target(%dma_start3A_227 : memref<10000x128xf32, #tpu.memory_space<vmem_shared>>) offsets(%dma_start3A_224 : memref<40xi32, #tpu.memory_space<vmem>>) semaphore(%arg21 : memref<!tpu.dma_semaphore, #tpu.memory_space<semaphore_mem>>) {add = true}
        %add3A_228 = arith.constant 4 : i32
        %add3A_229 = arith.addi %add3A_192, %add3A_228 : i32
        %lt3A_230 = arith.constant 125 : i32
        %lt3A_231 = arith.cmpi slt, %add3A_229, %lt3A_230 : i32
        %convert_element_type3A_232 = arith.extui %lt3A_231 : i1 to i32
        %cond3A_233 = arith.constant 0 : i32
        %cond3A_234 = arith.cmpi ne, %convert_element_type3A_232, %cond3A_233 : i32
        scf.if %cond3A_234 {
          %ge3A = arith.constant 5 : i32
          %ge3A_235 = arith.cmpi sge, %add3A_229, %ge3A : i32
          %convert_element_type3A_236 = arith.extui %ge3A_235 : i1 to i32
          %cond3A_237 = arith.constant 0 : i32
          %cond3A_238 = arith.cmpi ne, %convert_element_type3A_236, %cond3A_237 : i32
          scf.if %cond3A_238 {
            %sub3A = arith.constant 5 : i32
            %sub3A_245 = arith.subi %add3A_229, %sub3A : i32
            %mul3A_246 = arith.constant 40 : i32
            %mul3A_247 = arith.muli %sub3A_245, %mul3A_246 : i32
            %dma_wait3A_248 = tpu.memref_slice %arg8[%mul3A_247] : memref<5000xi32, #tpu.memory_space<vmem>> -> memref<40xi32, #tpu.memory_space<vmem>>
            %dma_wait3A_249 = arith.constant 0 : i32
            %dma_wait3A_250 = arith.constant 0 : i32
            %dma_wait3A_251 = tpu.memref_slice %arg6[%dma_wait3A_249, %dma_wait3A_250] : memref<10000x128xf32, #tpu.memory_space<vmem_shared>> -> memref<10000x128xf32, #tpu.memory_space<vmem_shared>>
            tpu.wait_indirect_dma semaphore(%arg20 : memref<!tpu.dma_semaphore, #tpu.memory_space<semaphore_mem>>) src(%arg10 : memref<40x128xf32, #tpu.memory_space<vmem>>) dst(%dma_wait3A_251 : memref<10000x128xf32, #tpu.memory_space<vmem_shared>>)
          } else {
          }
          %mul3A_239 = arith.constant 40 : i32
          %mul3A_240 = arith.muli %add3A_229, %mul3A_239 : i32
          %dma_start3A_241 = tpu.memref_slice %arg7[%mul3A_240] : memref<5000xi32, #tpu.memory_space<vmem>> -> memref<40xi32, #tpu.memory_space<vmem>>
          %dma_start3A_242 = arith.constant 0 : i32
          %dma_start3A_243 = arith.constant 0 : i32
          %dma_start3A_244 = tpu.memref_slice %arg2[%dma_start3A_242, %dma_start3A_243] : memref<10000x128xf32, #tpu.memory_space<hbm>> -> memref<10000x128xf32, #tpu.memory_space<hbm>>
          tpu.enqueue_indirect_dma source(%dma_start3A_244 : memref<10000x128xf32, #tpu.memory_space<hbm>>) target(%arg10 : memref<40x128xf32, #tpu.memory_space<vmem>>) offsets(%dma_start3A_241 : memref<40xi32, #tpu.memory_space<vmem>>) semaphore(%arg15 : memref<!tpu.dma_semaphore, #tpu.memory_space<semaphore_mem>>)
        } else {
        }
      } else {
      }
      %mul3A_198 = arith.constant 5 : i32
      %mul3A_199 = arith.muli %scan3A_171, %mul3A_198 : i32
      %add3A_200 = arith.constant 3 : i32
      %add3A_201 = arith.addi %mul3A_199, %add3A_200 : i32
      %lt3A_202 = arith.constant 125 : i32
      %lt3A_203 = arith.cmpi slt, %add3A_201, %lt3A_202 : i32
      %convert_element_type3A_204 = arith.extui %lt3A_203 : i1 to i32
      %cond3A_205 = arith.constant 0 : i32
      %cond3A_206 = arith.cmpi ne, %convert_element_type3A_204, %cond3A_205 : i32
      scf.if %cond3A_206 {
        %mul3A_216 = arith.constant 40 : i32
        %mul3A_217 = arith.muli %add3A_201, %mul3A_216 : i32
        %dma_wait3A_218 = tpu.memref_slice %arg7[%mul3A_217] : memref<5000xi32, #tpu.memory_space<vmem>> -> memref<40xi32, #tpu.memory_space<vmem>>
        %dma_wait3A_219 = arith.constant 0 : i32
        %dma_wait3A_220 = arith.constant 0 : i32
        %dma_wait3A_221 = tpu.memref_slice %arg2[%dma_wait3A_219, %dma_wait3A_220] : memref<10000x128xf32, #tpu.memory_space<hbm>> -> memref<10000x128xf32, #tpu.memory_space<hbm>>
        tpu.wait_indirect_dma semaphore(%arg17 : memref<!tpu.dma_semaphore, #tpu.memory_space<semaphore_mem>>) src(%dma_wait3A_221 : memref<10000x128xf32, #tpu.memory_space<hbm>>) dst(%arg12 : memref<40x128xf32, #tpu.memory_space<vmem>>)
        %mul3A_222 = arith.constant 40 : i32
        %mul3A_223 = arith.muli %add3A_201, %mul3A_222 : i32
        %dma_start3A_224 = tpu.memref_slice %arg8[%mul3A_223] : memref<5000xi32, #tpu.memory_space<vmem>> -> memref<40xi32, #tpu.memory_space<vmem>>
        %dma_start3A_225 = arith.constant 0 : i32
        %dma_start3A_226 = arith.constant 0 : i32
        %dma_start3A_227 = tpu.memref_slice %arg6[%dma_start3A_225, %dma_start3A_226] : memref<10000x128xf32, #tpu.memory_space<vmem_shared>> -> memref<10000x128xf32, #tpu.memory_space<vmem_shared>>
        tpu.enqueue_indirect_dma source(%arg12 : memref<40x128xf32, #tpu.memory_space<vmem>>) target(%dma_start3A_227 : memref<10000x128xf32, #tpu.memory_space<vmem_shared>>) offsets(%dma_start3A_224 : memref<40xi32, #tpu.memory_space<vmem>>) semaphore(%arg22 : memref<!tpu.dma_semaphore, #tpu.memory_space<semaphore_mem>>) {add = true}
        %add3A_228 = arith.constant 4 : i32
        %add3A_229 = arith.addi %add3A_201, %add3A_228 : i32
        %lt3A_230 = arith.constant 125 : i32
        %lt3A_231 = arith.cmpi slt, %add3A_229, %lt3A_230 : i32
        %convert_element_type3A_232 = arith.extui %lt3A_231 : i1 to i32
        %cond3A_233 = arith.constant 0 : i32
        %cond3A_234 = arith.cmpi ne, %convert_element_type3A_232, %cond3A_233 : i32
        scf.if %cond3A_234 {
          %ge3A = arith.constant 5 : i32
          %ge3A_235 = arith.cmpi sge, %add3A_229, %ge3A : i32
          %convert_element_type3A_236 = arith.extui %ge3A_235 : i1 to i32
          %cond3A_237 = arith.constant 0 : i32
          %cond3A_238 = arith.cmpi ne, %convert_element_type3A_236, %cond3A_237 : i32
          scf.if %cond3A_238 {
            %sub3A = arith.constant 5 : i32
            %sub3A_245 = arith.subi %add3A_229, %sub3A : i32
            %mul3A_246 = arith.constant 40 : i32
            %mul3A_247 = arith.muli %sub3A_245, %mul3A_246 : i32
            %dma_wait3A_248 = tpu.memref_slice %arg8[%mul3A_247] : memref<5000xi32, #tpu.memory_space<vmem>> -> memref<40xi32, #tpu.memory_space<vmem>>
            %dma_wait3A_249 = arith.constant 0 : i32
            %dma_wait3A_250 = arith.constant 0 : i32
            %dma_wait3A_251 = tpu.memref_slice %arg6[%dma_wait3A_249, %dma_wait3A_250] : memref<10000x128xf32, #tpu.memory_space<vmem_shared>> -> memref<10000x128xf32, #tpu.memory_space<vmem_shared>>
            tpu.wait_indirect_dma semaphore(%arg21 : memref<!tpu.dma_semaphore, #tpu.memory_space<semaphore_mem>>) src(%arg11 : memref<40x128xf32, #tpu.memory_space<vmem>>) dst(%dma_wait3A_251 : memref<10000x128xf32, #tpu.memory_space<vmem_shared>>)
          } else {
          }
          %mul3A_239 = arith.constant 40 : i32
          %mul3A_240 = arith.muli %add3A_229, %mul3A_239 : i32
          %dma_start3A_241 = tpu.memref_slice %arg7[%mul3A_240] : memref<5000xi32, #tpu.memory_space<vmem>> -> memref<40xi32, #tpu.memory_space<vmem>>
          %dma_start3A_242 = arith.constant 0 : i32
          %dma_start3A_243 = arith.constant 0 : i32
          %dma_start3A_244 = tpu.memref_slice %arg2[%dma_start3A_242, %dma_start3A_243] : memref<10000x128xf32, #tpu.memory_space<hbm>> -> memref<10000x128xf32, #tpu.memory_space<hbm>>
          tpu.enqueue_indirect_dma source(%dma_start3A_244 : memref<10000x128xf32, #tpu.memory_space<hbm>>) target(%arg11 : memref<40x128xf32, #tpu.memory_space<vmem>>) offsets(%dma_start3A_241 : memref<40xi32, #tpu.memory_space<vmem>>) semaphore(%arg16 : memref<!tpu.dma_semaphore, #tpu.memory_space<semaphore_mem>>)
        } else {
        }
      } else {
      }
      %mul3A_207 = arith.constant 5 : i32
      %mul3A_208 = arith.muli %scan3A_171, %mul3A_207 : i32
      %add3A_209 = arith.constant 4 : i32
      %add3A_210 = arith.addi %mul3A_208, %add3A_209 : i32
      %lt3A_211 = arith.constant 125 : i32
      %lt3A_212 = arith.cmpi slt, %add3A_210, %lt3A_211 : i32
      %convert_element_type3A_213 = arith.extui %lt3A_212 : i1 to i32
      %cond3A_214 = arith.constant 0 : i32
      %cond3A_215 = arith.cmpi ne, %convert_element_type3A_213, %cond3A_214 : i32
      scf.if %cond3A_215 {
        %mul3A_216 = arith.constant 40 : i32
        %mul3A_217 = arith.muli %add3A_210, %mul3A_216 : i32
        %dma_wait3A_218 = tpu.memref_slice %arg7[%mul3A_217] : memref<5000xi32, #tpu.memory_space<vmem>> -> memref<40xi32, #tpu.memory_space<vmem>>
        %dma_wait3A_219 = arith.constant 0 : i32
        %dma_wait3A_220 = arith.constant 0 : i32
        %dma_wait3A_221 = tpu.memref_slice %arg2[%dma_wait3A_219, %dma_wait3A_220] : memref<10000x128xf32, #tpu.memory_space<hbm>> -> memref<10000x128xf32, #tpu.memory_space<hbm>>
        tpu.wait_indirect_dma semaphore(%arg18 : memref<!tpu.dma_semaphore, #tpu.memory_space<semaphore_mem>>) src(%dma_wait3A_221 : memref<10000x128xf32, #tpu.memory_space<hbm>>) dst(%arg13 : memref<40x128xf32, #tpu.memory_space<vmem>>)
        %mul3A_222 = arith.constant 40 : i32
        %mul3A_223 = arith.muli %add3A_210, %mul3A_222 : i32
        %dma_start3A_224 = tpu.memref_slice %arg8[%mul3A_223] : memref<5000xi32, #tpu.memory_space<vmem>> -> memref<40xi32, #tpu.memory_space<vmem>>
        %dma_start3A_225 = arith.constant 0 : i32
        %dma_start3A_226 = arith.constant 0 : i32
        %dma_start3A_227 = tpu.memref_slice %arg6[%dma_start3A_225, %dma_start3A_226] : memref<10000x128xf32, #tpu.memory_space<vmem_shared>> -> memref<10000x128xf32, #tpu.memory_space<vmem_shared>>
        tpu.enqueue_indirect_dma source(%arg13 : memref<40x128xf32, #tpu.memory_space<vmem>>) target(%dma_start3A_227 : memref<10000x128xf32, #tpu.memory_space<vmem_shared>>) offsets(%dma_start3A_224 : memref<40xi32, #tpu.memory_space<vmem>>) semaphore(%arg23 : memref<!tpu.dma_semaphore, #tpu.memory_space<semaphore_mem>>) {add = true}
        %add3A_228 = arith.constant 4 : i32
        %add3A_229 = arith.addi %add3A_210, %add3A_228 : i32
        %lt3A_230 = arith.constant 125 : i32
        %lt3A_231 = arith.cmpi slt, %add3A_229, %lt3A_230 : i32
        %convert_element_type3A_232 = arith.extui %lt3A_231 : i1 to i32
        %cond3A_233 = arith.constant 0 : i32
        %cond3A_234 = arith.cmpi ne, %convert_element_type3A_232, %cond3A_233 : i32
        scf.if %cond3A_234 {
          %ge3A = arith.constant 5 : i32
          %ge3A_235 = arith.cmpi sge, %add3A_229, %ge3A : i32
          %convert_element_type3A_236 = arith.extui %ge3A_235 : i1 to i32
          %cond3A_237 = arith.constant 0 : i32
          %cond3A_238 = arith.cmpi ne, %convert_element_type3A_236, %cond3A_237 : i32
          scf.if %cond3A_238 {
            %sub3A = arith.constant 5 : i32
            %sub3A_245 = arith.subi %add3A_229, %sub3A : i32
            %mul3A_246 = arith.constant 40 : i32
            %mul3A_247 = arith.muli %sub3A_245, %mul3A_246 : i32
            %dma_wait3A_248 = tpu.memref_slice %arg8[%mul3A_247] : memref<5000xi32, #tpu.memory_space<vmem>> -> memref<40xi32, #tpu.memory_space<vmem>>
            %dma_wait3A_249 = arith.constant 0 : i32
            %dma_wait3A_250 = arith.constant 0 : i32
            %dma_wait3A_251 = tpu.memref_slice %arg6[%dma_wait3A_249, %dma_wait3A_250] : memref<10000x128xf32, #tpu.memory_space<vmem_shared>> -> memref<10000x128xf32, #tpu.memory_space<vmem_shared>>
            tpu.wait_indirect_dma semaphore(%arg22 : memref<!tpu.dma_semaphore, #tpu.memory_space<semaphore_mem>>) src(%arg12 : memref<40x128xf32, #tpu.memory_space<vmem>>) dst(%dma_wait3A_251 : memref<10000x128xf32, #tpu.memory_space<vmem_shared>>)
          } else {
          }
          %mul3A_239 = arith.constant 40 : i32
          %mul3A_240 = arith.muli %add3A_229, %mul3A_239 : i32
          %dma_start3A_241 = tpu.memref_slice %arg7[%mul3A_240] : memref<5000xi32, #tpu.memory_space<vmem>> -> memref<40xi32, #tpu.memory_space<vmem>>
          %dma_start3A_242 = arith.constant 0 : i32
          %dma_start3A_243 = arith.constant 0 : i32
          %dma_start3A_244 = tpu.memref_slice %arg2[%dma_start3A_242, %dma_start3A_243] : memref<10000x128xf32, #tpu.memory_space<hbm>> -> memref<10000x128xf32, #tpu.memory_space<hbm>>
          tpu.enqueue_indirect_dma source(%dma_start3A_244 : memref<10000x128xf32, #tpu.memory_space<hbm>>) target(%arg12 : memref<40x128xf32, #tpu.memory_space<vmem>>) offsets(%dma_start3A_241 : memref<40xi32, #tpu.memory_space<vmem>>) semaphore(%arg17 : memref<!tpu.dma_semaphore, #tpu.memory_space<semaphore_mem>>)
        } else {
        }
      } else {
      }
    }
    %scan3A_64 = arith.constant 25 : i32
    %dma_wait3A_65 = arith.constant 4800 : i32
    %dma_wait3A_66 = tpu.memref_slice %arg8[%dma_wait3A_65] : memref<5000xi32, #tpu.memory_space<vmem>> -> memref<40xi32, #tpu.memory_space<vmem>>
    %dma_wait3A_67 = arith.constant 0 : i32
    %dma_wait3A_68 = arith.constant 0 : i32
    %dma_wait3A_69 = tpu.memref_slice %arg6[%dma_wait3A_67, %dma_wait3A_68] : memref<10000x128xf32, #tpu.memory_space<vmem_shared>> -> memref<10000x128xf32, #tpu.memory_space<vmem_shared>>
    tpu.wait_indirect_dma semaphore(%arg19 : memref<!tpu.dma_semaphore, #tpu.memory_space<semaphore_mem>>) src(%arg9 : memref<40x128xf32, #tpu.memory_space<vmem>>) dst(%dma_wait3A_69 : memref<10000x128xf32, #tpu.memory_space<vmem_shared>>)
    %dma_wait3A_70 = arith.constant 4840 : i32
    %dma_wait3A_71 = tpu.memref_slice %arg8[%dma_wait3A_70] : memref<5000xi32, #tpu.memory_space<vmem>> -> memref<40xi32, #tpu.memory_space<vmem>>
    %dma_wait3A_72 = arith.constant 0 : i32
    %dma_wait3A_73 = arith.constant 0 : i32
    %dma_wait3A_74 = tpu.memref_slice %arg6[%dma_wait3A_72, %dma_wait3A_73] : memref<10000x128xf32, #tpu.memory_space<vmem_shared>> -> memref<10000x128xf32, #tpu.memory_space<vmem_shared>>
    tpu.wait_indirect_dma semaphore(%arg20 : memref<!tpu.dma_semaphore, #tpu.memory_space<semaphore_mem>>) src(%arg10 : memref<40x128xf32, #tpu.memory_space<vmem>>) dst(%dma_wait3A_74 : memref<10000x128xf32, #tpu.memory_space<vmem_shared>>)
    %dma_wait3A_75 = arith.constant 4880 : i32
    %dma_wait3A_76 = tpu.memref_slice %arg8[%dma_wait3A_75] : memref<5000xi32, #tpu.memory_space<vmem>> -> memref<40xi32, #tpu.memory_space<vmem>>
    %dma_wait3A_77 = arith.constant 0 : i32
    %dma_wait3A_78 = arith.constant 0 : i32
    %dma_wait3A_79 = tpu.memref_slice %arg6[%dma_wait3A_77, %dma_wait3A_78] : memref<10000x128xf32, #tpu.memory_space<vmem_shared>> -> memref<10000x128xf32, #tpu.memory_space<vmem_shared>>
    tpu.wait_indirect_dma semaphore(%arg21 : memref<!tpu.dma_semaphore, #tpu.memory_space<semaphore_mem>>) src(%arg11 : memref<40x128xf32, #tpu.memory_space<vmem>>) dst(%dma_wait3A_79 : memref<10000x128xf32, #tpu.memory_space<vmem_shared>>)
    %dma_wait3A_80 = arith.constant 4920 : i32
    %dma_wait3A_81 = tpu.memref_slice %arg8[%dma_wait3A_80] : memref<5000xi32, #tpu.memory_space<vmem>> -> memref<40xi32, #tpu.memory_space<vmem>>
    %dma_wait3A_82 = arith.constant 0 : i32
    %dma_wait3A_83 = arith.constant 0 : i32
    %dma_wait3A_84 = tpu.memref_slice %arg6[%dma_wait3A_82, %dma_wait3A_83] : memref<10000x128xf32, #tpu.memory_space<vmem_shared>> -> memref<10000x128xf32, #tpu.memory_space<vmem_shared>>
    tpu.wait_indirect_dma semaphore(%arg22 : memref<!tpu.dma_semaphore, #tpu.memory_space<semaphore_mem>>) src(%arg12 : memref<40x128xf32, #tpu.memory_space<vmem>>) dst(%dma_wait3A_84 : memref<10000x128xf32, #tpu.memory_space<vmem_shared>>)
    %dma_wait3A_85 = arith.constant 4960 : i32
    %dma_wait3A_86 = tpu.memref_slice %arg8[%dma_wait3A_85] : memref<5000xi32, #tpu.memory_space<vmem>> -> memref<40xi32, #tpu.memory_space<vmem>>
    %dma_wait3A_87 = arith.constant 0 : i32
    %dma_wait3A_88 = arith.constant 0 : i32
    %dma_wait3A_89 = tpu.memref_slice %arg6[%dma_wait3A_87, %dma_wait3A_88] : memref<10000x128xf32, #tpu.memory_space<vmem_shared>> -> memref<10000x128xf32, #tpu.memory_space<vmem_shared>>
    tpu.wait_indirect_dma semaphore(%arg23 : memref<!tpu.dma_semaphore, #tpu.memory_space<semaphore_mem>>) src(%arg13 : memref<40x128xf32, #tpu.memory_space<vmem>>) dst(%dma_wait3A_89 : memref<10000x128xf32, #tpu.memory_space<vmem_shared>>)
    %mul3A_90 = arith.constant 10000 : i32
    %mul3A_91 = arith.muli %add3A, %mul3A_90 : i32
    %add3A_92 = arith.constant 5000 : i32
    %add3A_93 = arith.addi %mul3A_91, %add3A_92 : i32
    %dma_start3A_94 = tpu.memref_slice %arg3[%add3A_93] : memref<320000xi32, #tpu.memory_space<hbm>> -> memref<5000xi32, #tpu.memory_space<hbm>>
    %dma_start3A_95 = tpu.memref_slice %arg3[%add3A_93] : memref<320000xi32, #tpu.memory_space<hbm>> -> memref<5000xi32, #tpu.memory_space<hbm>>
    tpu.enqueue_dma source(%dma_start3A_95 : memref<5000xi32, #tpu.memory_space<hbm>>) target(%arg7 : memref<5000xi32, #tpu.memory_space<vmem>>) target_semaphore(%arg24 : memref<!tpu.dma_semaphore, #tpu.memory_space<semaphore_mem>>)
    %mul3A_96 = arith.constant 10000 : i32
    %mul3A_97 = arith.muli %add3A, %mul3A_96 : i32
    %add3A_98 = arith.constant 5000 : i32
    %add3A_99 = arith.addi %mul3A_97, %add3A_98 : i32
    %dma_start3A_100 = tpu.memref_slice %arg4[%add3A_99] : memref<320000xi32, #tpu.memory_space<hbm>> -> memref<5000xi32, #tpu.memory_space<hbm>>
    %dma_start3A_101 = tpu.memref_slice %arg4[%add3A_99] : memref<320000xi32, #tpu.memory_space<hbm>> -> memref<5000xi32, #tpu.memory_space<hbm>>
    tpu.enqueue_dma source(%dma_start3A_101 : memref<5000xi32, #tpu.memory_space<hbm>>) target(%arg8 : memref<5000xi32, #tpu.memory_space<vmem>>) target_semaphore(%arg24 : memref<!tpu.dma_semaphore, #tpu.memory_space<semaphore_mem>>)
    %mul3A_102 = arith.constant 10000 : i32
    %mul3A_103 = arith.muli %add3A, %mul3A_102 : i32
    %add3A_104 = arith.constant 5000 : i32
    %add3A_105 = arith.addi %mul3A_103, %add3A_104 : i32
    %dma_wait3A_106 = tpu.memref_slice %arg3[%add3A_105] : memref<320000xi32, #tpu.memory_space<hbm>> -> memref<5000xi32, #tpu.memory_space<hbm>>
    %dma_wait3A_107 = tpu.memref_slice %arg3[%add3A_105] : memref<320000xi32, #tpu.memory_space<hbm>> -> memref<5000xi32, #tpu.memory_space<hbm>>
    tpu.wait_dma2 semaphore(%arg24 : memref<!tpu.dma_semaphore, #tpu.memory_space<semaphore_mem>>) src(%dma_wait3A_107 : memref<5000xi32, #tpu.memory_space<hbm>>) dst(%arg7 : memref<5000xi32, #tpu.memory_space<vmem>>)
    %mul3A_108 = arith.constant 10000 : i32
    %mul3A_109 = arith.muli %add3A, %mul3A_108 : i32
    %add3A_110 = arith.constant 5000 : i32
    %add3A_111 = arith.addi %mul3A_109, %add3A_110 : i32
    %dma_wait3A_112 = tpu.memref_slice %arg4[%add3A_111] : memref<320000xi32, #tpu.memory_space<hbm>> -> memref<5000xi32, #tpu.memory_space<hbm>>
    %dma_wait3A_113 = tpu.memref_slice %arg4[%add3A_111] : memref<320000xi32, #tpu.memory_space<hbm>> -> memref<5000xi32, #tpu.memory_space<hbm>>
    tpu.wait_dma2 semaphore(%arg24 : memref<!tpu.dma_semaphore, #tpu.memory_space<semaphore_mem>>) src(%dma_wait3A_113 : memref<5000xi32, #tpu.memory_space<hbm>>) dst(%arg8 : memref<5000xi32, #tpu.memory_space<vmem>>)
    %dma_start3A_114 = arith.constant 0 : i32
    %dma_start3A_115 = tpu.memref_slice %arg7[%dma_start3A_114] : memref<5000xi32, #tpu.memory_space<vmem>> -> memref<40xi32, #tpu.memory_space<vmem>>
    %dma_start3A_116 = arith.constant 0 : i32
    %dma_start3A_117 = arith.constant 0 : i32
    %dma_start3A_118 = tpu.memref_slice %arg2[%dma_start3A_116, %dma_start3A_117] : memref<10000x128xf32, #tpu.memory_space<hbm>> -> memref<10000x128xf32, #tpu.memory_space<hbm>>
    tpu.enqueue_indirect_dma source(%dma_start3A_118 : memref<10000x128xf32, #tpu.memory_space<hbm>>) target(%arg9 : memref<40x128xf32, #tpu.memory_space<vmem>>) offsets(%dma_start3A_115 : memref<40xi32, #tpu.memory_space<vmem>>) semaphore(%arg14 : memref<!tpu.dma_semaphore, #tpu.memory_space<semaphore_mem>>)
    %dma_start3A_119 = arith.constant 40 : i32
    %dma_start3A_120 = tpu.memref_slice %arg7[%dma_start3A_119] : memref<5000xi32, #tpu.memory_space<vmem>> -> memref<40xi32, #tpu.memory_space<vmem>>
    %dma_start3A_121 = arith.constant 0 : i32
    %dma_start3A_122 = arith.constant 0 : i32
    %dma_start3A_123 = tpu.memref_slice %arg2[%dma_start3A_121, %dma_start3A_122] : memref<10000x128xf32, #tpu.memory_space<hbm>> -> memref<10000x128xf32, #tpu.memory_space<hbm>>
    tpu.enqueue_indirect_dma source(%dma_start3A_123 : memref<10000x128xf32, #tpu.memory_space<hbm>>) target(%arg10 : memref<40x128xf32, #tpu.memory_space<vmem>>) offsets(%dma_start3A_120 : memref<40xi32, #tpu.memory_space<vmem>>) semaphore(%arg15 : memref<!tpu.dma_semaphore, #tpu.memory_space<semaphore_mem>>)
    %dma_start3A_124 = arith.constant 80 : i32
    %dma_start3A_125 = tpu.memref_slice %arg7[%dma_start3A_124] : memref<5000xi32, #tpu.memory_space<vmem>> -> memref<40xi32, #tpu.memory_space<vmem>>
    %dma_start3A_126 = arith.constant 0 : i32
    %dma_start3A_127 = arith.constant 0 : i32
    %dma_start3A_128 = tpu.memref_slice %arg2[%dma_start3A_126, %dma_start3A_127] : memref<10000x128xf32, #tpu.memory_space<hbm>> -> memref<10000x128xf32, #tpu.memory_space<hbm>>
    tpu.enqueue_indirect_dma source(%dma_start3A_128 : memref<10000x128xf32, #tpu.memory_space<hbm>>) target(%arg11 : memref<40x128xf32, #tpu.memory_space<vmem>>) offsets(%dma_start3A_125 : memref<40xi32, #tpu.memory_space<vmem>>) semaphore(%arg16 : memref<!tpu.dma_semaphore, #tpu.memory_space<semaphore_mem>>)
    %dma_start3A_129 = arith.constant 120 : i32
    %dma_start3A_130 = tpu.memref_slice %arg7[%dma_start3A_129] : memref<5000xi32, #tpu.memory_space<vmem>> -> memref<40xi32, #tpu.memory_space<vmem>>
    %dma_start3A_131 = arith.constant 0 : i32
    %dma_start3A_132 = arith.constant 0 : i32
    %dma_start3A_133 = tpu.memref_slice %arg2[%dma_start3A_131, %dma_start3A_132] : memref<10000x128xf32, #tpu.memory_space<hbm>> -> memref<10000x128xf32, #tpu.memory_space<hbm>>
    tpu.enqueue_indirect_dma source(%dma_start3A_133 : memref<10000x128xf32, #tpu.memory_space<hbm>>) target(%arg12 : memref<40x128xf32, #tpu.memory_space<vmem>>) offsets(%dma_start3A_130 : memref<40xi32, #tpu.memory_space<vmem>>) semaphore(%arg17 : memref<!tpu.dma_semaphore, #tpu.memory_space<semaphore_mem>>)
    %scan3A_134 = arith.constant 0 : i32
    %scan3A_135 = arith.constant 0 : i32
    %scan3A_136 = arith.constant 25 : i32
    %scan3A_137 = arith.addi %scan3A_135, %scan3A_136 : i32
    %scan3A_138 = arith.constant 1 : i32
    scf.for %scan3A_171 = %scan3A_135 to %scan3A_137 step %scan3A_138  : i32 {
      %mul3A_172 = arith.constant 5 : i32
      %mul3A_173 = arith.muli %scan3A_171, %mul3A_172 : i32
      %add3A_174 = arith.constant 0 : i32
      %add3A_175 = arith.addi %mul3A_173, %add3A_174 : i32
      %lt3A = arith.constant 125 : i32
      %lt3A_176 = arith.cmpi slt, %add3A_175, %lt3A : i32
      %convert_element_type3A_177 = arith.extui %lt3A_176 : i1 to i32
      %cond3A_178 = arith.constant 0 : i32
      %cond3A_179 = arith.cmpi ne, %convert_element_type3A_177, %cond3A_178 : i32
      scf.if %cond3A_179 {
        %mul3A_216 = arith.constant 40 : i32
        %mul3A_217 = arith.muli %add3A_175, %mul3A_216 : i32
        %dma_wait3A_218 = tpu.memref_slice %arg7[%mul3A_217] : memref<5000xi32, #tpu.memory_space<vmem>> -> memref<40xi32, #tpu.memory_space<vmem>>
        %dma_wait3A_219 = arith.constant 0 : i32
        %dma_wait3A_220 = arith.constant 0 : i32
        %dma_wait3A_221 = tpu.memref_slice %arg2[%dma_wait3A_219, %dma_wait3A_220] : memref<10000x128xf32, #tpu.memory_space<hbm>> -> memref<10000x128xf32, #tpu.memory_space<hbm>>
        tpu.wait_indirect_dma semaphore(%arg14 : memref<!tpu.dma_semaphore, #tpu.memory_space<semaphore_mem>>) src(%dma_wait3A_221 : memref<10000x128xf32, #tpu.memory_space<hbm>>) dst(%arg9 : memref<40x128xf32, #tpu.memory_space<vmem>>)
        %mul3A_222 = arith.constant 40 : i32
        %mul3A_223 = arith.muli %add3A_175, %mul3A_222 : i32
        %dma_start3A_224 = tpu.memref_slice %arg8[%mul3A_223] : memref<5000xi32, #tpu.memory_space<vmem>> -> memref<40xi32, #tpu.memory_space<vmem>>
        %dma_start3A_225 = arith.constant 0 : i32
        %dma_start3A_226 = arith.constant 0 : i32
        %dma_start3A_227 = tpu.memref_slice %arg6[%dma_start3A_225, %dma_start3A_226] : memref<10000x128xf32, #tpu.memory_space<vmem_shared>> -> memref<10000x128xf32, #tpu.memory_space<vmem_shared>>
        tpu.enqueue_indirect_dma source(%arg9 : memref<40x128xf32, #tpu.memory_space<vmem>>) target(%dma_start3A_227 : memref<10000x128xf32, #tpu.memory_space<vmem_shared>>) offsets(%dma_start3A_224 : memref<40xi32, #tpu.memory_space<vmem>>) semaphore(%arg19 : memref<!tpu.dma_semaphore, #tpu.memory_space<semaphore_mem>>) {add = true}
        %add3A_228 = arith.constant 4 : i32
        %add3A_229 = arith.addi %add3A_175, %add3A_228 : i32
        %lt3A_230 = arith.constant 125 : i32
        %lt3A_231 = arith.cmpi slt, %add3A_229, %lt3A_230 : i32
        %convert_element_type3A_232 = arith.extui %lt3A_231 : i1 to i32
        %cond3A_233 = arith.constant 0 : i32
        %cond3A_234 = arith.cmpi ne, %convert_element_type3A_232, %cond3A_233 : i32
        scf.if %cond3A_234 {
          %ge3A = arith.constant 5 : i32
          %ge3A_235 = arith.cmpi sge, %add3A_229, %ge3A : i32
          %convert_element_type3A_236 = arith.extui %ge3A_235 : i1 to i32
          %cond3A_237 = arith.constant 0 : i32
          %cond3A_238 = arith.cmpi ne, %convert_element_type3A_236, %cond3A_237 : i32
          scf.if %cond3A_238 {
            %sub3A = arith.constant 5 : i32
            %sub3A_245 = arith.subi %add3A_229, %sub3A : i32
            %mul3A_246 = arith.constant 40 : i32
            %mul3A_247 = arith.muli %sub3A_245, %mul3A_246 : i32
            %dma_wait3A_248 = tpu.memref_slice %arg8[%mul3A_247] : memref<5000xi32, #tpu.memory_space<vmem>> -> memref<40xi32, #tpu.memory_space<vmem>>
            %dma_wait3A_249 = arith.constant 0 : i32
            %dma_wait3A_250 = arith.constant 0 : i32
            %dma_wait3A_251 = tpu.memref_slice %arg6[%dma_wait3A_249, %dma_wait3A_250] : memref<10000x128xf32, #tpu.memory_space<vmem_shared>> -> memref<10000x128xf32, #tpu.memory_space<vmem_shared>>
            tpu.wait_indirect_dma semaphore(%arg23 : memref<!tpu.dma_semaphore, #tpu.memory_space<semaphore_mem>>) src(%arg13 : memref<40x128xf32, #tpu.memory_space<vmem>>) dst(%dma_wait3A_251 : memref<10000x128xf32, #tpu.memory_space<vmem_shared>>)
          } else {
          }
          %mul3A_239 = arith.constant 40 : i32
          %mul3A_240 = arith.muli %add3A_229, %mul3A_239 : i32
          %dma_start3A_241 = tpu.memref_slice %arg7[%mul3A_240] : memref<5000xi32, #tpu.memory_space<vmem>> -> memref<40xi32, #tpu.memory_space<vmem>>
          %dma_start3A_242 = arith.constant 0 : i32
          %dma_start3A_243 = arith.constant 0 : i32
          %dma_start3A_244 = tpu.memref_slice %arg2[%dma_start3A_242, %dma_start3A_243] : memref<10000x128xf32, #tpu.memory_space<hbm>> -> memref<10000x128xf32, #tpu.memory_space<hbm>>
          tpu.enqueue_indirect_dma source(%dma_start3A_244 : memref<10000x128xf32, #tpu.memory_space<hbm>>) target(%arg13 : memref<40x128xf32, #tpu.memory_space<vmem>>) offsets(%dma_start3A_241 : memref<40xi32, #tpu.memory_space<vmem>>) semaphore(%arg18 : memref<!tpu.dma_semaphore, #tpu.memory_space<semaphore_mem>>)
        } else {
        }
      } else {
      }
      %mul3A_180 = arith.constant 5 : i32
      %mul3A_181 = arith.muli %scan3A_171, %mul3A_180 : i32
      %add3A_182 = arith.constant 1 : i32
      %add3A_183 = arith.addi %mul3A_181, %add3A_182 : i32
      %lt3A_184 = arith.constant 125 : i32
      %lt3A_185 = arith.cmpi slt, %add3A_183, %lt3A_184 : i32
      %convert_element_type3A_186 = arith.extui %lt3A_185 : i1 to i32
      %cond3A_187 = arith.constant 0 : i32
      %cond3A_188 = arith.cmpi ne, %convert_element_type3A_186, %cond3A_187 : i32
      scf.if %cond3A_188 {
        %mul3A_216 = arith.constant 40 : i32
        %mul3A_217 = arith.muli %add3A_183, %mul3A_216 : i32
        %dma_wait3A_218 = tpu.memref_slice %arg7[%mul3A_217] : memref<5000xi32, #tpu.memory_space<vmem>> -> memref<40xi32, #tpu.memory_space<vmem>>
        %dma_wait3A_219 = arith.constant 0 : i32
        %dma_wait3A_220 = arith.constant 0 : i32
        %dma_wait3A_221 = tpu.memref_slice %arg2[%dma_wait3A_219, %dma_wait3A_220] : memref<10000x128xf32, #tpu.memory_space<hbm>> -> memref<10000x128xf32, #tpu.memory_space<hbm>>
        tpu.wait_indirect_dma semaphore(%arg15 : memref<!tpu.dma_semaphore, #tpu.memory_space<semaphore_mem>>) src(%dma_wait3A_221 : memref<10000x128xf32, #tpu.memory_space<hbm>>) dst(%arg10 : memref<40x128xf32, #tpu.memory_space<vmem>>)
        %mul3A_222 = arith.constant 40 : i32
        %mul3A_223 = arith.muli %add3A_183, %mul3A_222 : i32
        %dma_start3A_224 = tpu.memref_slice %arg8[%mul3A_223] : memref<5000xi32, #tpu.memory_space<vmem>> -> memref<40xi32, #tpu.memory_space<vmem>>
        %dma_start3A_225 = arith.constant 0 : i32
        %dma_start3A_226 = arith.constant 0 : i32
        %dma_start3A_227 = tpu.memref_slice %arg6[%dma_start3A_225, %dma_start3A_226] : memref<10000x128xf32, #tpu.memory_space<vmem_shared>> -> memref<10000x128xf32, #tpu.memory_space<vmem_shared>>
        tpu.enqueue_indirect_dma source(%arg10 : memref<40x128xf32, #tpu.memory_space<vmem>>) target(%dma_start3A_227 : memref<10000x128xf32, #tpu.memory_space<vmem_shared>>) offsets(%dma_start3A_224 : memref<40xi32, #tpu.memory_space<vmem>>) semaphore(%arg20 : memref<!tpu.dma_semaphore, #tpu.memory_space<semaphore_mem>>) {add = true}
        %add3A_228 = arith.constant 4 : i32
        %add3A_229 = arith.addi %add3A_183, %add3A_228 : i32
        %lt3A_230 = arith.constant 125 : i32
        %lt3A_231 = arith.cmpi slt, %add3A_229, %lt3A_230 : i32
        %convert_element_type3A_232 = arith.extui %lt3A_231 : i1 to i32
        %cond3A_233 = arith.constant 0 : i32
        %cond3A_234 = arith.cmpi ne, %convert_element_type3A_232, %cond3A_233 : i32
        scf.if %cond3A_234 {
          %ge3A = arith.constant 5 : i32
          %ge3A_235 = arith.cmpi sge, %add3A_229, %ge3A : i32
          %convert_element_type3A_236 = arith.extui %ge3A_235 : i1 to i32
          %cond3A_237 = arith.constant 0 : i32
          %cond3A_238 = arith.cmpi ne, %convert_element_type3A_236, %cond3A_237 : i32
          scf.if %cond3A_238 {
            %sub3A = arith.constant 5 : i32
            %sub3A_245 = arith.subi %add3A_229, %sub3A : i32
            %mul3A_246 = arith.constant 40 : i32
            %mul3A_247 = arith.muli %sub3A_245, %mul3A_246 : i32
            %dma_wait3A_248 = tpu.memref_slice %arg8[%mul3A_247] : memref<5000xi32, #tpu.memory_space<vmem>> -> memref<40xi32, #tpu.memory_space<vmem>>
            %dma_wait3A_249 = arith.constant 0 : i32
            %dma_wait3A_250 = arith.constant 0 : i32
            %dma_wait3A_251 = tpu.memref_slice %arg6[%dma_wait3A_249, %dma_wait3A_250] : memref<10000x128xf32, #tpu.memory_space<vmem_shared>> -> memref<10000x128xf32, #tpu.memory_space<vmem_shared>>
            tpu.wait_indirect_dma semaphore(%arg19 : memref<!tpu.dma_semaphore, #tpu.memory_space<semaphore_mem>>) src(%arg9 : memref<40x128xf32, #tpu.memory_space<vmem>>) dst(%dma_wait3A_251 : memref<10000x128xf32, #tpu.memory_space<vmem_shared>>)
          } else {
          }
          %mul3A_239 = arith.constant 40 : i32
          %mul3A_240 = arith.muli %add3A_229, %mul3A_239 : i32
          %dma_start3A_241 = tpu.memref_slice %arg7[%mul3A_240] : memref<5000xi32, #tpu.memory_space<vmem>> -> memref<40xi32, #tpu.memory_space<vmem>>
          %dma_start3A_242 = arith.constant 0 : i32
          %dma_start3A_243 = arith.constant 0 : i32
          %dma_start3A_244 = tpu.memref_slice %arg2[%dma_start3A_242, %dma_start3A_243] : memref<10000x128xf32, #tpu.memory_space<hbm>> -> memref<10000x128xf32, #tpu.memory_space<hbm>>
          tpu.enqueue_indirect_dma source(%dma_start3A_244 : memref<10000x128xf32, #tpu.memory_space<hbm>>) target(%arg9 : memref<40x128xf32, #tpu.memory_space<vmem>>) offsets(%dma_start3A_241 : memref<40xi32, #tpu.memory_space<vmem>>) semaphore(%arg14 : memref<!tpu.dma_semaphore, #tpu.memory_space<semaphore_mem>>)
        } else {
        }
      } else {
      }
      %mul3A_189 = arith.constant 5 : i32
      %mul3A_190 = arith.muli %scan3A_171, %mul3A_189 : i32
      %add3A_191 = arith.constant 2 : i32
      %add3A_192 = arith.addi %mul3A_190, %add3A_191 : i32
      %lt3A_193 = arith.constant 125 : i32
      %lt3A_194 = arith.cmpi slt, %add3A_192, %lt3A_193 : i32
      %convert_element_type3A_195 = arith.extui %lt3A_194 : i1 to i32
      %cond3A_196 = arith.constant 0 : i32
      %cond3A_197 = arith.cmpi ne, %convert_element_type3A_195, %cond3A_196 : i32
      scf.if %cond3A_197 {
        %mul3A_216 = arith.constant 40 : i32
        %mul3A_217 = arith.muli %add3A_192, %mul3A_216 : i32
        %dma_wait3A_218 = tpu.memref_slice %arg7[%mul3A_217] : memref<5000xi32, #tpu.memory_space<vmem>> -> memref<40xi32, #tpu.memory_space<vmem>>
        %dma_wait3A_219 = arith.constant 0 : i32
        %dma_wait3A_220 = arith.constant 0 : i32
        %dma_wait3A_221 = tpu.memref_slice %arg2[%dma_wait3A_219, %dma_wait3A_220] : memref<10000x128xf32, #tpu.memory_space<hbm>> -> memref<10000x128xf32, #tpu.memory_space<hbm>>
        tpu.wait_indirect_dma semaphore(%arg16 : memref<!tpu.dma_semaphore, #tpu.memory_space<semaphore_mem>>) src(%dma_wait3A_221 : memref<10000x128xf32, #tpu.memory_space<hbm>>) dst(%arg11 : memref<40x128xf32, #tpu.memory_space<vmem>>)
        %mul3A_222 = arith.constant 40 : i32
        %mul3A_223 = arith.muli %add3A_192, %mul3A_222 : i32
        %dma_start3A_224 = tpu.memref_slice %arg8[%mul3A_223] : memref<5000xi32, #tpu.memory_space<vmem>> -> memref<40xi32, #tpu.memory_space<vmem>>
        %dma_start3A_225 = arith.constant 0 : i32
        %dma_start3A_226 = arith.constant 0 : i32
        %dma_start3A_227 = tpu.memref_slice %arg6[%dma_start3A_225, %dma_start3A_226] : memref<10000x128xf32, #tpu.memory_space<vmem_shared>> -> memref<10000x128xf32, #tpu.memory_space<vmem_shared>>
        tpu.enqueue_indirect_dma source(%arg11 : memref<40x128xf32, #tpu.memory_space<vmem>>) target(%dma_start3A_227 : memref<10000x128xf32, #tpu.memory_space<vmem_shared>>) offsets(%dma_start3A_224 : memref<40xi32, #tpu.memory_space<vmem>>) semaphore(%arg21 : memref<!tpu.dma_semaphore, #tpu.memory_space<semaphore_mem>>) {add = true}
        %add3A_228 = arith.constant 4 : i32
        %add3A_229 = arith.addi %add3A_192, %add3A_228 : i32
        %lt3A_230 = arith.constant 125 : i32
        %lt3A_231 = arith.cmpi slt, %add3A_229, %lt3A_230 : i32
        %convert_element_type3A_232 = arith.extui %lt3A_231 : i1 to i32
        %cond3A_233 = arith.constant 0 : i32
        %cond3A_234 = arith.cmpi ne, %convert_element_type3A_232, %cond3A_233 : i32
        scf.if %cond3A_234 {
          %ge3A = arith.constant 5 : i32
          %ge3A_235 = arith.cmpi sge, %add3A_229, %ge3A : i32
          %convert_element_type3A_236 = arith.extui %ge3A_235 : i1 to i32
          %cond3A_237 = arith.constant 0 : i32
          %cond3A_238 = arith.cmpi ne, %convert_element_type3A_236, %cond3A_237 : i32
          scf.if %cond3A_238 {
            %sub3A = arith.constant 5 : i32
            %sub3A_245 = arith.subi %add3A_229, %sub3A : i32
            %mul3A_246 = arith.constant 40 : i32
            %mul3A_247 = arith.muli %sub3A_245, %mul3A_246 : i32
            %dma_wait3A_248 = tpu.memref_slice %arg8[%mul3A_247] : memref<5000xi32, #tpu.memory_space<vmem>> -> memref<40xi32, #tpu.memory_space<vmem>>
            %dma_wait3A_249 = arith.constant 0 : i32
            %dma_wait3A_250 = arith.constant 0 : i32
            %dma_wait3A_251 = tpu.memref_slice %arg6[%dma_wait3A_249, %dma_wait3A_250] : memref<10000x128xf32, #tpu.memory_space<vmem_shared>> -> memref<10000x128xf32, #tpu.memory_space<vmem_shared>>
            tpu.wait_indirect_dma semaphore(%arg20 : memref<!tpu.dma_semaphore, #tpu.memory_space<semaphore_mem>>) src(%arg10 : memref<40x128xf32, #tpu.memory_space<vmem>>) dst(%dma_wait3A_251 : memref<10000x128xf32, #tpu.memory_space<vmem_shared>>)
          } else {
          }
          %mul3A_239 = arith.constant 40 : i32
          %mul3A_240 = arith.muli %add3A_229, %mul3A_239 : i32
          %dma_start3A_241 = tpu.memref_slice %arg7[%mul3A_240] : memref<5000xi32, #tpu.memory_space<vmem>> -> memref<40xi32, #tpu.memory_space<vmem>>
          %dma_start3A_242 = arith.constant 0 : i32
          %dma_start3A_243 = arith.constant 0 : i32
          %dma_start3A_244 = tpu.memref_slice %arg2[%dma_start3A_242, %dma_start3A_243] : memref<10000x128xf32, #tpu.memory_space<hbm>> -> memref<10000x128xf32, #tpu.memory_space<hbm>>
          tpu.enqueue_indirect_dma source(%dma_start3A_244 : memref<10000x128xf32, #tpu.memory_space<hbm>>) target(%arg10 : memref<40x128xf32, #tpu.memory_space<vmem>>) offsets(%dma_start3A_241 : memref<40xi32, #tpu.memory_space<vmem>>) semaphore(%arg15 : memref<!tpu.dma_semaphore, #tpu.memory_space<semaphore_mem>>)
        } else {
        }
      } else {
      }
      %mul3A_198 = arith.constant 5 : i32
      %mul3A_199 = arith.muli %scan3A_171, %mul3A_198 : i32
      %add3A_200 = arith.constant 3 : i32
      %add3A_201 = arith.addi %mul3A_199, %add3A_200 : i32
      %lt3A_202 = arith.constant 125 : i32
      %lt3A_203 = arith.cmpi slt, %add3A_201, %lt3A_202 : i32
      %convert_element_type3A_204 = arith.extui %lt3A_203 : i1 to i32
      %cond3A_205 = arith.constant 0 : i32
      %cond3A_206 = arith.cmpi ne, %convert_element_type3A_204, %cond3A_205 : i32
      scf.if %cond3A_206 {
        %mul3A_216 = arith.constant 40 : i32
        %mul3A_217 = arith.muli %add3A_201, %mul3A_216 : i32
        %dma_wait3A_218 = tpu.memref_slice %arg7[%mul3A_217] : memref<5000xi32, #tpu.memory_space<vmem>> -> memref<40xi32, #tpu.memory_space<vmem>>
        %dma_wait3A_219 = arith.constant 0 : i32
        %dma_wait3A_220 = arith.constant 0 : i32
        %dma_wait3A_221 = tpu.memref_slice %arg2[%dma_wait3A_219, %dma_wait3A_220] : memref<10000x128xf32, #tpu.memory_space<hbm>> -> memref<10000x128xf32, #tpu.memory_space<hbm>>
        tpu.wait_indirect_dma semaphore(%arg17 : memref<!tpu.dma_semaphore, #tpu.memory_space<semaphore_mem>>) src(%dma_wait3A_221 : memref<10000x128xf32, #tpu.memory_space<hbm>>) dst(%arg12 : memref<40x128xf32, #tpu.memory_space<vmem>>)
        %mul3A_222 = arith.constant 40 : i32
        %mul3A_223 = arith.muli %add3A_201, %mul3A_222 : i32
        %dma_start3A_224 = tpu.memref_slice %arg8[%mul3A_223] : memref<5000xi32, #tpu.memory_space<vmem>> -> memref<40xi32, #tpu.memory_space<vmem>>
        %dma_start3A_225 = arith.constant 0 : i32
        %dma_start3A_226 = arith.constant 0 : i32
        %dma_start3A_227 = tpu.memref_slice %arg6[%dma_start3A_225, %dma_start3A_226] : memref<10000x128xf32, #tpu.memory_space<vmem_shared>> -> memref<10000x128xf32, #tpu.memory_space<vmem_shared>>
        tpu.enqueue_indirect_dma source(%arg12 : memref<40x128xf32, #tpu.memory_space<vmem>>) target(%dma_start3A_227 : memref<10000x128xf32, #tpu.memory_space<vmem_shared>>) offsets(%dma_start3A_224 : memref<40xi32, #tpu.memory_space<vmem>>) semaphore(%arg22 : memref<!tpu.dma_semaphore, #tpu.memory_space<semaphore_mem>>) {add = true}
        %add3A_228 = arith.constant 4 : i32
        %add3A_229 = arith.addi %add3A_201, %add3A_228 : i32
        %lt3A_230 = arith.constant 125 : i32
        %lt3A_231 = arith.cmpi slt, %add3A_229, %lt3A_230 : i32
        %convert_element_type3A_232 = arith.extui %lt3A_231 : i1 to i32
        %cond3A_233 = arith.constant 0 : i32
        %cond3A_234 = arith.cmpi ne, %convert_element_type3A_232, %cond3A_233 : i32
        scf.if %cond3A_234 {
          %ge3A = arith.constant 5 : i32
          %ge3A_235 = arith.cmpi sge, %add3A_229, %ge3A : i32
          %convert_element_type3A_236 = arith.extui %ge3A_235 : i1 to i32
          %cond3A_237 = arith.constant 0 : i32
          %cond3A_238 = arith.cmpi ne, %convert_element_type3A_236, %cond3A_237 : i32
          scf.if %cond3A_238 {
            %sub3A = arith.constant 5 : i32
            %sub3A_245 = arith.subi %add3A_229, %sub3A : i32
            %mul3A_246 = arith.constant 40 : i32
            %mul3A_247 = arith.muli %sub3A_245, %mul3A_246 : i32
            %dma_wait3A_248 = tpu.memref_slice %arg8[%mul3A_247] : memref<5000xi32, #tpu.memory_space<vmem>> -> memref<40xi32, #tpu.memory_space<vmem>>
            %dma_wait3A_249 = arith.constant 0 : i32
            %dma_wait3A_250 = arith.constant 0 : i32
            %dma_wait3A_251 = tpu.memref_slice %arg6[%dma_wait3A_249, %dma_wait3A_250] : memref<10000x128xf32, #tpu.memory_space<vmem_shared>> -> memref<10000x128xf32, #tpu.memory_space<vmem_shared>>
            tpu.wait_indirect_dma semaphore(%arg21 : memref<!tpu.dma_semaphore, #tpu.memory_space<semaphore_mem>>) src(%arg11 : memref<40x128xf32, #tpu.memory_space<vmem>>) dst(%dma_wait3A_251 : memref<10000x128xf32, #tpu.memory_space<vmem_shared>>)
          } else {
          }
          %mul3A_239 = arith.constant 40 : i32
          %mul3A_240 = arith.muli %add3A_229, %mul3A_239 : i32
          %dma_start3A_241 = tpu.memref_slice %arg7[%mul3A_240] : memref<5000xi32, #tpu.memory_space<vmem>> -> memref<40xi32, #tpu.memory_space<vmem>>
          %dma_start3A_242 = arith.constant 0 : i32
          %dma_start3A_243 = arith.constant 0 : i32
          %dma_start3A_244 = tpu.memref_slice %arg2[%dma_start3A_242, %dma_start3A_243] : memref<10000x128xf32, #tpu.memory_space<hbm>> -> memref<10000x128xf32, #tpu.memory_space<hbm>>
          tpu.enqueue_indirect_dma source(%dma_start3A_244 : memref<10000x128xf32, #tpu.memory_space<hbm>>) target(%arg11 : memref<40x128xf32, #tpu.memory_space<vmem>>) offsets(%dma_start3A_241 : memref<40xi32, #tpu.memory_space<vmem>>) semaphore(%arg16 : memref<!tpu.dma_semaphore, #tpu.memory_space<semaphore_mem>>)
        } else {
        }
      } else {
      }
      %mul3A_207 = arith.constant 5 : i32
      %mul3A_208 = arith.muli %scan3A_171, %mul3A_207 : i32
      %add3A_209 = arith.constant 4 : i32
      %add3A_210 = arith.addi %mul3A_208, %add3A_209 : i32
      %lt3A_211 = arith.constant 125 : i32
      %lt3A_212 = arith.cmpi slt, %add3A_210, %lt3A_211 : i32
      %convert_element_type3A_213 = arith.extui %lt3A_212 : i1 to i32
      %cond3A_214 = arith.constant 0 : i32
      %cond3A_215 = arith.cmpi ne, %convert_element_type3A_213, %cond3A_214 : i32
      scf.if %cond3A_215 {
        %mul3A_216 = arith.constant 40 : i32
        %mul3A_217 = arith.muli %add3A_210, %mul3A_216 : i32
        %dma_wait3A_218 = tpu.memref_slice %arg7[%mul3A_217] : memref<5000xi32, #tpu.memory_space<vmem>> -> memref<40xi32, #tpu.memory_space<vmem>>
        %dma_wait3A_219 = arith.constant 0 : i32
        %dma_wait3A_220 = arith.constant 0 : i32
        %dma_wait3A_221 = tpu.memref_slice %arg2[%dma_wait3A_219, %dma_wait3A_220] : memref<10000x128xf32, #tpu.memory_space<hbm>> -> memref<10000x128xf32, #tpu.memory_space<hbm>>
        tpu.wait_indirect_dma semaphore(%arg18 : memref<!tpu.dma_semaphore, #tpu.memory_space<semaphore_mem>>) src(%dma_wait3A_221 : memref<10000x128xf32, #tpu.memory_space<hbm>>) dst(%arg13 : memref<40x128xf32, #tpu.memory_space<vmem>>)
        %mul3A_222 = arith.constant 40 : i32
        %mul3A_223 = arith.muli %add3A_210, %mul3A_222 : i32
        %dma_start3A_224 = tpu.memref_slice %arg8[%mul3A_223] : memref<5000xi32, #tpu.memory_space<vmem>> -> memref<40xi32, #tpu.memory_space<vmem>>
        %dma_start3A_225 = arith.constant 0 : i32
        %dma_start3A_226 = arith.constant 0 : i32
        %dma_start3A_227 = tpu.memref_slice %arg6[%dma_start3A_225, %dma_start3A_226] : memref<10000x128xf32, #tpu.memory_space<vmem_shared>> -> memref<10000x128xf32, #tpu.memory_space<vmem_shared>>
        tpu.enqueue_indirect_dma source(%arg13 : memref<40x128xf32, #tpu.memory_space<vmem>>) target(%dma_start3A_227 : memref<10000x128xf32, #tpu.memory_space<vmem_shared>>) offsets(%dma_start3A_224 : memref<40xi32, #tpu.memory_space<vmem>>) semaphore(%arg23 : memref<!tpu.dma_semaphore, #tpu.memory_space<semaphore_mem>>) {add = true}
        %add3A_228 = arith.constant 4 : i32
        %add3A_229 = arith.addi %add3A_210, %add3A_228 : i32
        %lt3A_230 = arith.constant 125 : i32
        %lt3A_231 = arith.cmpi slt, %add3A_229, %lt3A_230 : i32
        %convert_element_type3A_232 = arith.extui %lt3A_231 : i1 to i32
        %cond3A_233 = arith.constant 0 : i32
        %cond3A_234 = arith.cmpi ne, %convert_element_type3A_232, %cond3A_233 : i32
        scf.if %cond3A_234 {
          %ge3A = arith.constant 5 : i32
          %ge3A_235 = arith.cmpi sge, %add3A_229, %ge3A : i32
          %convert_element_type3A_236 = arith.extui %ge3A_235 : i1 to i32
          %cond3A_237 = arith.constant 0 : i32
          %cond3A_238 = arith.cmpi ne, %convert_element_type3A_236, %cond3A_237 : i32
          scf.if %cond3A_238 {
            %sub3A = arith.constant 5 : i32
            %sub3A_245 = arith.subi %add3A_229, %sub3A : i32
            %mul3A_246 = arith.constant 40 : i32
            %mul3A_247 = arith.muli %sub3A_245, %mul3A_246 : i32
            %dma_wait3A_248 = tpu.memref_slice %arg8[%mul3A_247] : memref<5000xi32, #tpu.memory_space<vmem>> -> memref<40xi32, #tpu.memory_space<vmem>>
            %dma_wait3A_249 = arith.constant 0 : i32
            %dma_wait3A_250 = arith.constant 0 : i32
            %dma_wait3A_251 = tpu.memref_slice %arg6[%dma_wait3A_249, %dma_wait3A_250] : memref<10000x128xf32, #tpu.memory_space<vmem_shared>> -> memref<10000x128xf32, #tpu.memory_space<vmem_shared>>
            tpu.wait_indirect_dma semaphore(%arg22 : memref<!tpu.dma_semaphore, #tpu.memory_space<semaphore_mem>>) src(%arg12 : memref<40x128xf32, #tpu.memory_space<vmem>>) dst(%dma_wait3A_251 : memref<10000x128xf32, #tpu.memory_space<vmem_shared>>)
          } else {
          }
          %mul3A_239 = arith.constant 40 : i32
          %mul3A_240 = arith.muli %add3A_229, %mul3A_239 : i32
          %dma_start3A_241 = tpu.memref_slice %arg7[%mul3A_240] : memref<5000xi32, #tpu.memory_space<vmem>> -> memref<40xi32, #tpu.memory_space<vmem>>
          %dma_start3A_242 = arith.constant 0 : i32
          %dma_start3A_243 = arith.constant 0 : i32
          %dma_start3A_244 = tpu.memref_slice %arg2[%dma_start3A_242, %dma_start3A_243] : memref<10000x128xf32, #tpu.memory_space<hbm>> -> memref<10000x128xf32, #tpu.memory_space<hbm>>
          tpu.enqueue_indirect_dma source(%dma_start3A_244 : memref<10000x128xf32, #tpu.memory_space<hbm>>) target(%arg12 : memref<40x128xf32, #tpu.memory_space<vmem>>) offsets(%dma_start3A_241 : memref<40xi32, #tpu.memory_space<vmem>>) semaphore(%arg17 : memref<!tpu.dma_semaphore, #tpu.memory_space<semaphore_mem>>)
        } else {
        }
      } else {
      }
    }
    %scan3A_139 = arith.constant 25 : i32
    %dma_wait3A_140 = arith.constant 4800 : i32
    %dma_wait3A_141 = tpu.memref_slice %arg8[%dma_wait3A_140] : memref<5000xi32, #tpu.memory_space<vmem>> -> memref<40xi32, #tpu.memory_space<vmem>>
    %dma_wait3A_142 = arith.constant 0 : i32
    %dma_wait3A_143 = arith.constant 0 : i32
    %dma_wait3A_144 = tpu.memref_slice %arg6[%dma_wait3A_142, %dma_wait3A_143] : memref<10000x128xf32, #tpu.memory_space<vmem_shared>> -> memref<10000x128xf32, #tpu.memory_space<vmem_shared>>
    tpu.wait_indirect_dma semaphore(%arg19 : memref<!tpu.dma_semaphore, #tpu.memory_space<semaphore_mem>>) src(%arg9 : memref<40x128xf32, #tpu.memory_space<vmem>>) dst(%dma_wait3A_144 : memref<10000x128xf32, #tpu.memory_space<vmem_shared>>)
    %dma_wait3A_145 = arith.constant 4840 : i32
    %dma_wait3A_146 = tpu.memref_slice %arg8[%dma_wait3A_145] : memref<5000xi32, #tpu.memory_space<vmem>> -> memref<40xi32, #tpu.memory_space<vmem>>
    %dma_wait3A_147 = arith.constant 0 : i32
    %dma_wait3A_148 = arith.constant 0 : i32
    %dma_wait3A_149 = tpu.memref_slice %arg6[%dma_wait3A_147, %dma_wait3A_148] : memref<10000x128xf32, #tpu.memory_space<vmem_shared>> -> memref<10000x128xf32, #tpu.memory_space<vmem_shared>>
    tpu.wait_indirect_dma semaphore(%arg20 : memref<!tpu.dma_semaphore, #tpu.memory_space<semaphore_mem>>) src(%arg10 : memref<40x128xf32, #tpu.memory_space<vmem>>) dst(%dma_wait3A_149 : memref<10000x128xf32, #tpu.memory_space<vmem_shared>>)
    %dma_wait3A_150 = arith.constant 4880 : i32
    %dma_wait3A_151 = tpu.memref_slice %arg8[%dma_wait3A_150] : memref<5000xi32, #tpu.memory_space<vmem>> -> memref<40xi32, #tpu.memory_space<vmem>>
    %dma_wait3A_152 = arith.constant 0 : i32
    %dma_wait3A_153 = arith.constant 0 : i32
    %dma_wait3A_154 = tpu.memref_slice %arg6[%dma_wait3A_152, %dma_wait3A_153] : memref<10000x128xf32, #tpu.memory_space<vmem_shared>> -> memref<10000x128xf32, #tpu.memory_space<vmem_shared>>
    tpu.wait_indirect_dma semaphore(%arg21 : memref<!tpu.dma_semaphore, #tpu.memory_space<semaphore_mem>>) src(%arg11 : memref<40x128xf32, #tpu.memory_space<vmem>>) dst(%dma_wait3A_154 : memref<10000x128xf32, #tpu.memory_space<vmem_shared>>)
    %dma_wait3A_155 = arith.constant 4920 : i32
    %dma_wait3A_156 = tpu.memref_slice %arg8[%dma_wait3A_155] : memref<5000xi32, #tpu.memory_space<vmem>> -> memref<40xi32, #tpu.memory_space<vmem>>
    %dma_wait3A_157 = arith.constant 0 : i32
    %dma_wait3A_158 = arith.constant 0 : i32
    %dma_wait3A_159 = tpu.memref_slice %arg6[%dma_wait3A_157, %dma_wait3A_158] : memref<10000x128xf32, #tpu.memory_space<vmem_shared>> -> memref<10000x128xf32, #tpu.memory_space<vmem_shared>>
    tpu.wait_indirect_dma semaphore(%arg22 : memref<!tpu.dma_semaphore, #tpu.memory_space<semaphore_mem>>) src(%arg12 : memref<40x128xf32, #tpu.memory_space<vmem>>) dst(%dma_wait3A_159 : memref<10000x128xf32, #tpu.memory_space<vmem_shared>>)
    %dma_wait3A_160 = arith.constant 4960 : i32
    %dma_wait3A_161 = tpu.memref_slice %arg8[%dma_wait3A_160] : memref<5000xi32, #tpu.memory_space<vmem>> -> memref<40xi32, #tpu.memory_space<vmem>>
    %dma_wait3A_162 = arith.constant 0 : i32
    %dma_wait3A_163 = arith.constant 0 : i32
    %dma_wait3A_164 = tpu.memref_slice %arg6[%dma_wait3A_162, %dma_wait3A_163] : memref<10000x128xf32, #tpu.memory_space<vmem_shared>> -> memref<10000x128xf32, #tpu.memory_space<vmem_shared>>
    tpu.wait_indirect_dma semaphore(%arg23 : memref<!tpu.dma_semaphore, #tpu.memory_space<semaphore_mem>>) src(%arg13 : memref<40x128xf32, #tpu.memory_space<vmem>>) dst(%dma_wait3A_164 : memref<10000x128xf32, #tpu.memory_space<vmem_shared>>)
    %barrier3A_165 = arith.constant 0 : index
    tpu.barrier barrier_id(%barrier3A_165)
    "tpu.region"() ({
      %run_scoped3A = tpu.sem_alloc : memref<!tpu.dma_semaphore, #tpu.memory_space<semaphore_mem>>
      %dma_start3A_171 = arith.constant 0 : i32
      %dma_start3A_172 = tpu.memref_slice %arg5[%arg0, %mul3A_2, %dma_start3A_171] : memref<2x10000x128xf32, #tpu.memory_space<hbm>> -> memref<1x624x128xf32, #tpu.memory_space<hbm>>
      %dma_start3A_173 = tpu.memref_squeeze %dma_start3A_172 : memref<1x624x128xf32, #tpu.memory_space<hbm>> -> memref<624x128xf32, #tpu.memory_space<hbm>>
      %dma_start3A_174 = arith.constant 0 : i32
      %dma_start3A_175 = tpu.memref_slice %arg6[%mul3A_2, %dma_start3A_174] : memref<10000x128xf32, #tpu.memory_space<vmem_shared>> -> memref<624x128xf32, #tpu.memory_space<vmem_shared>>
      tpu.enqueue_dma source(%dma_start3A_175 : memref<624x128xf32, #tpu.memory_space<vmem_shared>>) target(%dma_start3A_173 : memref<624x128xf32, #tpu.memory_space<hbm>>) target_semaphore(%run_scoped3A : memref<!tpu.dma_semaphore, #tpu.memory_space<semaphore_mem>>)
      %dma_wait3A_176 = arith.constant 0 : i32
      %dma_wait3A_177 = tpu.memref_slice %arg5[%arg0, %mul3A_2, %dma_wait3A_176] : memref<2x10000x128xf32, #tpu.memory_space<hbm>> -> memref<1x624x128xf32, #tpu.memory_space<hbm>>
      %dma_wait3A_178 = tpu.memref_squeeze %dma_wait3A_177 : memref<1x624x128xf32, #tpu.memory_space<hbm>> -> memref<624x128xf32, #tpu.memory_space<hbm>>
      %dma_wait3A_179 = arith.constant 0 : i32
      %dma_wait3A_180 = tpu.memref_slice %arg6[%mul3A_2, %dma_wait3A_179] : memref<10000x128xf32, #tpu.memory_space<vmem_shared>> -> memref<624x128xf32, #tpu.memory_space<vmem_shared>>
      tpu.wait_dma2 semaphore(%run_scoped3A : memref<!tpu.dma_semaphore, #tpu.memory_space<semaphore_mem>>) src(%dma_wait3A_180 : memref<624x128xf32, #tpu.memory_space<vmem_shared>>) dst(%dma_wait3A_178 : memref<624x128xf32, #tpu.memory_space<hbm>>)
      tpu.yield
    }) : () -> ()
    %eq3A_166 = arith.constant 15 : i32
    %eq3A_167 = arith.cmpi eq, %arg1, %eq3A_166 : i32
    %convert_element_type3A_168 = arith.extui %eq3A_167 : i1 to i32
    %cond3A_169 = arith.constant 0 : i32
    %cond3A_170 = arith.cmpi ne, %convert_element_type3A_168, %cond3A_169 : i32
    scf.if %cond3A_170 {
      "tpu.region"() ({
        %run_scoped3A = tpu.sem_alloc : memref<!tpu.dma_semaphore, #tpu.memory_space<semaphore_mem>>
        %dma_start3A_171 = arith.constant 9984 : i32
        %dma_start3A_172 = arith.constant 0 : i32
        %dma_start3A_173 = tpu.memref_slice %arg5[%arg0, %dma_start3A_171, %dma_start3A_172] : memref<2x10000x128xf32, #tpu.memory_space<hbm>> -> memref<1x16x128xf32, #tpu.memory_space<hbm>>
        %dma_start3A_174 = tpu.memref_squeeze %dma_start3A_173 : memref<1x16x128xf32, #tpu.memory_space<hbm>> -> memref<16x128xf32, #tpu.memory_space<hbm>>
        %dma_start3A_175 = arith.constant 9984 : i32
        %dma_start3A_176 = arith.constant 0 : i32
        %dma_start3A_177 = tpu.memref_slice %arg6[%dma_start3A_175, %dma_start3A_176] : memref<10000x128xf32, #tpu.memory_space<vmem_shared>> -> memref<16x128xf32, #tpu.memory_space<vmem_shared>>
        tpu.enqueue_dma source(%dma_start3A_177 : memref<16x128xf32, #tpu.memory_space<vmem_shared>>) target(%dma_start3A_174 : memref<16x128xf32, #tpu.memory_space<hbm>>) target_semaphore(%run_scoped3A : memref<!tpu.dma_semaphore, #tpu.memory_space<semaphore_mem>>)
        %dma_wait3A_178 = arith.constant 9984 : i32
        %dma_wait3A_179 = arith.constant 0 : i32
        %dma_wait3A_180 = tpu.memref_slice %arg5[%arg0, %dma_wait3A_178, %dma_wait3A_179] : memref<2x10000x128xf32, #tpu.memory_space<hbm>> -> memref<1x16x128xf32, #tpu.memory_space<hbm>>
        %dma_wait3A_181 = tpu.memref_squeeze %dma_wait3A_180 : memref<1x16x128xf32, #tpu.memory_space<hbm>> -> memref<16x128xf32, #tpu.memory_space<hbm>>
        %dma_wait3A_182 = arith.constant 9984 : i32
        %dma_wait3A_183 = arith.constant 0 : i32
        %dma_wait3A_184 = tpu.memref_slice %arg6[%dma_wait3A_182, %dma_wait3A_183] : memref<10000x128xf32, #tpu.memory_space<vmem_shared>> -> memref<16x128xf32, #tpu.memory_space<vmem_shared>>
        tpu.wait_dma2 semaphore(%run_scoped3A : memref<!tpu.dma_semaphore, #tpu.memory_space<semaphore_mem>>) src(%dma_wait3A_184 : memref<16x128xf32, #tpu.memory_space<vmem_shared>>) dst(%dma_wait3A_181 : memref<16x128xf32, #tpu.memory_space<hbm>>)
        tpu.yield
      }) : () -> ()
    } else {
    }
    return
  }
}

module attributes {stable_mosaic.version = 14 : i64} {
  func.func @_tc_body(%arg0: memref<2x10000x128xf32, #tpu.memory_space<vmem>>, %arg1: memref<10000x128xf32, #tpu.memory_space<vmem>>, %arg2: memref<10000x1xi32, #tpu.memory_space<vmem>>, %arg3: memref<128x128xf32, #tpu.memory_space<vmem>>, %arg4: memref<1x128xf32, #tpu.memory_space<vmem>>, %arg5: memref<128x128xf32, #tpu.memory_space<vmem>>, %arg6: memref<1x128xf32, #tpu.memory_space<vmem>>, %arg7: memref<1x128xf32, #tpu.memory_space<vmem>>, %arg8: memref<1x1xf32, #tpu.memory_space<vmem>>, %arg9: memref<1x128xf32, #tpu.memory_space<vmem>>, %arg10: memref<1x128xf32, #tpu.memory_space<vmem>>, %arg11: memref<128x10xf32, #tpu.memory_space<vmem>>, %arg12: memref<1x10xf32, #tpu.memory_space<vmem>>, %arg13: memref<128x10xf32, #tpu.memory_space<vmem>>) attributes {dimension_semantics = [], scalar_prefetch = 0 : i64, scratch_operands = 0 : i64, tpu.core_type = #tpu.core_type<tc>} {
    %get3A = arith.constant 0 : index
    %get3A_0 = arith.constant 0 : index
    %get3A_1 = arith.constant 0 : index
    %get3A_2 = vector.load %arg0[%get3A, %get3A_0, %get3A_1] : memref<2x10000x128xf32, #tpu.memory_space<vmem>>, vector<1x10000x128xf32>
    %get3A_3 = vector.shape_cast %get3A_2 : vector<1x10000x128xf32> to vector<10000x128xf32>
    %get3A_4 = arith.constant 1 : index
    %get3A_5 = arith.constant 0 : index
    %get3A_6 = arith.constant 0 : index
    %get3A_7 = vector.load %arg0[%get3A_4, %get3A_5, %get3A_6] : memref<2x10000x128xf32, #tpu.memory_space<vmem>>, vector<1x10000x128xf32>
    %get3A_8 = vector.shape_cast %get3A_7 : vector<1x10000x128xf32> to vector<10000x128xf32>
    %add3A = arith.addf %get3A_3, %get3A_8 : vector<10000x128xf32>
    %get3A_9 = arith.constant 0 : index
    %get3A_10 = arith.constant 0 : index
    %get3A_11 = vector.load %arg1[%get3A_9, %get3A_10] : memref<10000x128xf32, #tpu.memory_space<vmem>>, vector<10000x128xf32>
    %sub3A = arith.subf %add3A, %get3A_11 : vector<10000x128xf32>
    %get3A_12 = arith.constant 0 : index
    %get3A_13 = arith.constant 0 : index
    %get3A_14 = vector.load %arg3[%get3A_12, %get3A_13] : memref<128x128xf32, #tpu.memory_space<vmem>>, vector<128x128xf32>
    %dot_general3A = arith.constant dense<0.000000e+00> : vector<10000x128xf32>
    %dot_general3A_15 = tpu.matmul %sub3A, %get3A_14, %dot_general3A {dimension_numbers = #tpu.dot_dimension_numbers<[1], [0], [0], [1], [0, 0, 1, 1], [], []>, transpose_lhs_hint = false} : vector<10000x128xf32>, vector<128x128xf32>, vector<10000x128xf32> -> vector<10000x128xf32>
    %get3A_16 = arith.constant 0 : index
    %get3A_17 = arith.constant 0 : index
    %get3A_18 = vector.load %arg4[%get3A_16, %get3A_17] : memref<1x128xf32, #tpu.memory_space<vmem>>, vector<1x128xf32>
    %add3A_19 = vector.broadcast %get3A_18 : vector<1x128xf32> to vector<10000x128xf32>
    %add3A_20 = arith.addf %dot_general3A_15, %add3A_19 : vector<10000x128xf32>
    %max3A = arith.constant 0.000000e+00 : f32
    %max3A_21 = vector.broadcast %max3A : f32 to vector<10000x128xf32>
    %max3A_22 = arith.maximumf %add3A_20, %max3A_21 : vector<10000x128xf32>
    %get3A_23 = arith.constant 0 : index
    %get3A_24 = arith.constant 0 : index
    %get3A_25 = vector.load %arg5[%get3A_23, %get3A_24] : memref<128x128xf32, #tpu.memory_space<vmem>>, vector<128x128xf32>
    %dot_general3A_26 = arith.constant dense<0.000000e+00> : vector<10000x128xf32>
    %dot_general3A_27 = tpu.matmul %max3A_22, %get3A_25, %dot_general3A_26 {dimension_numbers = #tpu.dot_dimension_numbers<[1], [0], [0], [1], [0, 0, 1, 1], [], []>, transpose_lhs_hint = false} : vector<10000x128xf32>, vector<128x128xf32>, vector<10000x128xf32> -> vector<10000x128xf32>
    %get3A_28 = arith.constant 0 : index
    %get3A_29 = arith.constant 0 : index
    %get3A_30 = vector.load %arg6[%get3A_28, %get3A_29] : memref<1x128xf32, #tpu.memory_space<vmem>>, vector<1x128xf32>
    %add3A_31 = vector.broadcast %get3A_30 : vector<1x128xf32> to vector<10000x128xf32>
    %add3A_32 = arith.addf %dot_general3A_27, %add3A_31 : vector<10000x128xf32>
    %max3A_33 = arith.constant 0.000000e+00 : f32
    %max3A_34 = vector.broadcast %max3A_33 : f32 to vector<10000x128xf32>
    %max3A_35 = arith.maximumf %add3A_32, %max3A_34 : vector<10000x128xf32>
    %get3A_36 = arith.constant 0 : index
    %get3A_37 = arith.constant 0 : index
    %get3A_38 = vector.load %arg7[%get3A_36, %get3A_37] : memref<1x128xf32, #tpu.memory_space<vmem>>, vector<1x128xf32>
    %mul3A = vector.broadcast %get3A_38 : vector<1x128xf32> to vector<10000x128xf32>
    %mul3A_39 = arith.mulf %max3A_35, %mul3A : vector<10000x128xf32>
    %reduce_sum3A = arith.constant dense<0.000000e+00> : vector<10000xf32>
    %reduce_sum3A_40 = vector.multi_reduction <add>, %mul3A_39, %reduce_sum3A [1] : vector<10000x128xf32> to vector<10000xf32>
    %broadcast_in_dim3A = vector.shape_cast %reduce_sum3A_40 : vector<10000xf32> to vector<10000x1xf32>
    %get3A_41 = arith.constant 0 : index
    %get3A_42 = arith.constant 0 : index
    %get3A_43 = vector.load %arg8[%get3A_41, %get3A_42] : memref<1x1xf32, #tpu.memory_space<vmem>>, vector<1x1xf32>
    %get3A_44 = vector.extract %get3A_43[0, 0] : f32 from vector<1x1xf32>
    %add3A_45 = vector.broadcast %get3A_44 : f32 to vector<10000x1xf32>
    %add3A_46 = arith.addf %broadcast_in_dim3A, %add3A_45 : vector<10000x1xf32>
    %iota3A = tpu.iota {dimensions = array<i32: 1>} : vector<1x128xi32>
    %get3A_47 = arith.constant 0 : index
    %get3A_48 = arith.constant 0 : index
    %get3A_49 = vector.load %arg2[%get3A_47, %get3A_48] : memref<10000x1xi32, #tpu.memory_space<vmem>>, vector<10000x1xi32>
    %eq3A = vector.broadcast %get3A_49 : vector<10000x1xi32> to vector<10000x128xi32>
    %eq3A_50 = vector.broadcast %iota3A : vector<1x128xi32> to vector<10000x128xi32>
    %eq3A_51 = arith.cmpi eq, %eq3A, %eq3A_50 : vector<10000x128xi32>
    %jit3A = arith.constant 0xFF800000 : f32
    %broadcast_in_dim3A_52 = vector.shape_cast %add3A_46 : vector<10000x1xf32> to vector<10000x1xf32>
    %broadcast_in_dim3A_53 = vector.broadcast %broadcast_in_dim3A_52 : vector<10000x1xf32> to vector<10000x128xf32>
    %broadcast_in_dim3A_54 = vector.broadcast %jit3A : f32 to vector<10000x128xf32>
    %select_n3A = arith.select %eq3A_51, %broadcast_in_dim3A_53, %broadcast_in_dim3A_54 : vector<10000x128xi1>, vector<10000x128xf32>
    %reduce_max3A = arith.constant dense<0xFF800000> : vector<128xf32>
    %reduce_max3A_55 = vector.multi_reduction <maximumf>, %select_n3A, %reduce_max3A [0] : vector<10000x128xf32> to vector<128xf32>
    %broadcast_in_dim3A_56 = vector.shape_cast %reduce_max3A_55 : vector<128xf32> to vector<1x128xf32>
    %eq3A_57 = arith.constant 0xFF800000 : f32
    %eq3A_58 = vector.broadcast %eq3A_57 : f32 to vector<1x128xf32>
    %eq3A_59 = arith.cmpf oeq, %broadcast_in_dim3A_56, %eq3A_58 : vector<1x128xf32>
    %jit3A_60 = arith.constant 0.000000e+00 : f32
    %broadcast_in_dim3A_61 = vector.broadcast %jit3A_60 : f32 to vector<1x128xf32>
    %select_n3A_62 = arith.select %eq3A_59, %broadcast_in_dim3A_61, %broadcast_in_dim3A_56 : vector<1x128xi1>, vector<1x128xf32>
    %jit3A_63 = arith.constant 0.000000e+00 : f32
    %broadcast_in_dim3A_64 = vector.shape_cast %select_n3A_62 : vector<1x128xf32> to vector<1x128xf32>
    %broadcast_in_dim3A_65 = vector.broadcast %broadcast_in_dim3A_64 : vector<1x128xf32> to vector<10000x128xf32>
    %broadcast_in_dim3A_66 = vector.broadcast %jit3A_63 : f32 to vector<10000x128xf32>
    %select_n3A_67 = arith.select %eq3A_51, %broadcast_in_dim3A_65, %broadcast_in_dim3A_66 : vector<10000x128xi1>, vector<10000x128xf32>
    %reduce_sum3A_68 = arith.constant dense<0.000000e+00> : vector<10000xf32>
    %reduce_sum3A_69 = vector.multi_reduction <add>, %select_n3A_67, %reduce_sum3A_68 [1] : vector<10000x128xf32> to vector<10000xf32>
    %broadcast_in_dim3A_70 = vector.shape_cast %reduce_sum3A_69 : vector<10000xf32> to vector<10000x1xf32>
    %sub3A_71 = arith.subf %add3A_46, %broadcast_in_dim3A_70 : vector<10000x1xf32>
    %exp3A = math.exp %sub3A_71 : vector<10000x1xf32>
    %jit3A_72 = arith.constant 0.000000e+00 : f32
    %broadcast_in_dim3A_73 = vector.shape_cast %exp3A : vector<10000x1xf32> to vector<10000x1xf32>
    %broadcast_in_dim3A_74 = vector.broadcast %broadcast_in_dim3A_73 : vector<10000x1xf32> to vector<10000x128xf32>
    %broadcast_in_dim3A_75 = vector.broadcast %jit3A_72 : f32 to vector<10000x128xf32>
    %select_n3A_76 = arith.select %eq3A_51, %broadcast_in_dim3A_74, %broadcast_in_dim3A_75 : vector<10000x128xi1>, vector<10000x128xf32>
    %reduce_sum3A_77 = arith.constant dense<0.000000e+00> : vector<128xf32>
    %reduce_sum3A_78 = vector.multi_reduction <add>, %select_n3A_76, %reduce_sum3A_77 [0] : vector<10000x128xf32> to vector<128xf32>
    %broadcast_in_dim3A_79 = vector.shape_cast %reduce_sum3A_78 : vector<128xf32> to vector<1x128xf32>
    %jit3A_80 = arith.constant 0.000000e+00 : f32
    %broadcast_in_dim3A_81 = vector.shape_cast %broadcast_in_dim3A_79 : vector<1x128xf32> to vector<1x128xf32>
    %broadcast_in_dim3A_82 = vector.broadcast %broadcast_in_dim3A_81 : vector<1x128xf32> to vector<10000x128xf32>
    %broadcast_in_dim3A_83 = vector.broadcast %jit3A_80 : f32 to vector<10000x128xf32>
    %select_n3A_84 = arith.select %eq3A_51, %broadcast_in_dim3A_82, %broadcast_in_dim3A_83 : vector<10000x128xi1>, vector<10000x128xf32>
    %reduce_sum3A_85 = arith.constant dense<0.000000e+00> : vector<10000xf32>
    %reduce_sum3A_86 = vector.multi_reduction <add>, %select_n3A_84, %reduce_sum3A_85 [1] : vector<10000x128xf32> to vector<10000xf32>
    %broadcast_in_dim3A_87 = vector.shape_cast %reduce_sum3A_86 : vector<10000xf32> to vector<10000x1xf32>
    %add3A_88 = arith.constant 1.000000e-16 : f32
    %add3A_89 = vector.broadcast %add3A_88 : f32 to vector<10000x1xf32>
    %add3A_90 = arith.addf %broadcast_in_dim3A_87, %add3A_89 : vector<10000x1xf32>
    %div3A = arith.divf %exp3A, %add3A_90 : vector<10000x1xf32>
    %convert_element_type3A = arith.extui %eq3A_51 : vector<10000x128xi1> to vector<10000x128xi32>
    %convert_element_type3A_91 = arith.sitofp %convert_element_type3A : vector<10000x128xi32> to vector<10000x128xf32>
    %mul3A_92 = vector.broadcast %div3A : vector<10000x1xf32> to vector<10000x128xf32>
    %mul3A_93 = arith.mulf %mul3A_92, %max3A_35 : vector<10000x128xf32>
    %dot_general3A_94 = arith.constant dense<0.000000e+00> : vector<128x128xf32>
    %dot_general3A_95 = tpu.matmul %convert_element_type3A_91, %mul3A_93, %dot_general3A_94 {dimension_numbers = #tpu.dot_dimension_numbers<[0], [0], [1], [1], [0, 1, 1, 1], [], []>, transpose_lhs_hint = false} : vector<10000x128xf32>, vector<10000x128xf32>, vector<128x128xf32> -> vector<128x128xf32>
    %reduce_sum3A_96 = arith.constant dense<0.000000e+00> : vector<128xf32>
    %reduce_sum3A_97 = vector.multi_reduction <add>, %dot_general3A_95, %reduce_sum3A_96 [0] : vector<128x128xf32> to vector<128xf32>
    %broadcast_in_dim3A_98 = vector.shape_cast %reduce_sum3A_97 : vector<128xf32> to vector<1x128xf32>
    %div3A_99 = arith.constant 1.280000e+02 : f32
    %div3A_100 = vector.broadcast %div3A_99 : f32 to vector<1x128xf32>
    %div3A_101 = arith.divf %broadcast_in_dim3A_98, %div3A_100 : vector<1x128xf32>
    %sub3A_102 = vector.broadcast %div3A_101 : vector<1x128xf32> to vector<128x128xf32>
    %sub3A_103 = arith.subf %dot_general3A_95, %sub3A_102 : vector<128x128xf32>
    %integer_pow3A = arith.mulf %sub3A_103, %sub3A_103 : vector<128x128xf32>
    %reduce_sum3A_104 = arith.constant dense<0.000000e+00> : vector<128xf32>
    %reduce_sum3A_105 = vector.multi_reduction <add>, %integer_pow3A, %reduce_sum3A_104 [0] : vector<128x128xf32> to vector<128xf32>
    %broadcast_in_dim3A_106 = vector.shape_cast %reduce_sum3A_105 : vector<128xf32> to vector<1x128xf32>
    %div3A_107 = arith.constant 1.280000e+02 : f32
    %div3A_108 = vector.broadcast %div3A_107 : f32 to vector<1x128xf32>
    %div3A_109 = arith.divf %broadcast_in_dim3A_106, %div3A_108 : vector<1x128xf32>
    %sub3A_110 = vector.broadcast %div3A_101 : vector<1x128xf32> to vector<128x128xf32>
    %sub3A_111 = arith.subf %dot_general3A_95, %sub3A_110 : vector<128x128xf32>
    %add3A_112 = arith.constant 9.99999974E-6 : f32
    %add3A_113 = vector.broadcast %add3A_112 : f32 to vector<1x128xf32>
    %add3A_114 = arith.addf %div3A_109, %add3A_113 : vector<1x128xf32>
    %sqrt3A = math.sqrt %add3A_114 : vector<1x128xf32>
    %div3A_115 = vector.broadcast %sqrt3A : vector<1x128xf32> to vector<128x128xf32>
    %div3A_116 = arith.divf %sub3A_111, %div3A_115 : vector<128x128xf32>
    %get3A_117 = arith.constant 0 : index
    %get3A_118 = arith.constant 0 : index
    %get3A_119 = vector.load %arg9[%get3A_117, %get3A_118] : memref<1x128xf32, #tpu.memory_space<vmem>>, vector<1x128xf32>
    %mul3A_120 = vector.broadcast %get3A_119 : vector<1x128xf32> to vector<128x128xf32>
    %mul3A_121 = arith.mulf %div3A_116, %mul3A_120 : vector<128x128xf32>
    %get3A_122 = arith.constant 0 : index
    %get3A_123 = arith.constant 0 : index
    %get3A_124 = vector.load %arg10[%get3A_122, %get3A_123] : memref<1x128xf32, #tpu.memory_space<vmem>>, vector<1x128xf32>
    %add3A_125 = vector.broadcast %get3A_124 : vector<1x128xf32> to vector<128x128xf32>
    %add3A_126 = arith.addf %mul3A_121, %add3A_125 : vector<128x128xf32>
    %get3A_127 = arith.constant 0 : index
    %get3A_128 = arith.constant 0 : index
    %get3A_129 = vector.load %arg11[%get3A_127, %get3A_128] : memref<128x10xf32, #tpu.memory_space<vmem>>, vector<128x10xf32>
    %dot_general3A_130 = arith.constant dense<0.000000e+00> : vector<128x10xf32>
    %dot_general3A_131 = tpu.matmul %add3A_126, %get3A_129, %dot_general3A_130 {dimension_numbers = #tpu.dot_dimension_numbers<[1], [0], [0], [1], [0, 0, 1, 1], [], []>, transpose_lhs_hint = false} : vector<128x128xf32>, vector<128x10xf32>, vector<128x10xf32> -> vector<128x10xf32>
    %get3A_132 = arith.constant 0 : index
    %get3A_133 = arith.constant 0 : index
    %get3A_134 = vector.load %arg12[%get3A_132, %get3A_133] : memref<1x10xf32, #tpu.memory_space<vmem>>, vector<1x10xf32>
    %add3A_135 = vector.broadcast %get3A_134 : vector<1x10xf32> to vector<128x10xf32>
    %add3A_136 = arith.addf %dot_general3A_131, %add3A_135 : vector<128x10xf32>
    %reduce_max3A_137 = arith.constant dense<0xFF800000> : vector<128xf32>
    %reduce_max3A_138 = vector.multi_reduction <maximumf>, %add3A_136, %reduce_max3A_137 [1] : vector<128x10xf32> to vector<128xf32>
    %broadcast_in_dim3A_139 = vector.shape_cast %reduce_max3A_138 : vector<128xf32> to vector<128x1xf32>
    %sub3A_140 = vector.broadcast %broadcast_in_dim3A_139 : vector<128x1xf32> to vector<128x10xf32>
    %sub3A_141 = arith.subf %add3A_136, %sub3A_140 : vector<128x10xf32>
    %exp3A_142 = math.exp %sub3A_141 : vector<128x10xf32>
    %reduce_sum3A_143 = arith.constant dense<0.000000e+00> : vector<128xf32>
    %reduce_sum3A_144 = vector.multi_reduction <add>, %exp3A_142, %reduce_sum3A_143 [1] : vector<128x10xf32> to vector<128xf32>
    %broadcast_in_dim3A_145 = vector.shape_cast %reduce_sum3A_144 : vector<128xf32> to vector<128x1xf32>
    %log3A = math.log %broadcast_in_dim3A_145 : vector<128x1xf32>
    %sub3A_146 = vector.broadcast %log3A : vector<128x1xf32> to vector<128x10xf32>
    %sub3A_147 = arith.subf %sub3A_141, %sub3A_146 : vector<128x10xf32>
    %swap3A = arith.constant 0 : index
    %swap3A_148 = arith.constant 0 : index
    %swap3A_149 = vector.load %arg13[%swap3A, %swap3A_148] : memref<128x10xf32, #tpu.memory_space<vmem>>, vector<128x10xf32>
    tpu.vector_store %arg13[%swap3A, %swap3A_148], %sub3A_147 {strides = array<i32>} : memref<128x10xf32, #tpu.memory_space<vmem>>, vector<128x10xf32>,
    return
  }
}

</mosaic_0001>

<sc_bundles>
// kernel: kernel.4.cloned.1.call-start
scs
__scs_entry_jumppad:
0x0: {  	(pc) =	sbr.rel $0x88, $3  }
0x1: {  	(tag) =	ssettag $0x0;
	lr =	simm.s32 $0x1  }
0x2: {  	[smem:$0x3F94] =	sst lr;
	_ =	strace $0xD0000000  }
0x3: {  	_ = 	snop  }
0x4: {  	_ = 	snop  }
0x5: {  	_ = 	snop  }
0x6: {  	_ = 	snop  }
0x7: {  	_ = 	snop  }
__scs_overlays_trampoline_lowered:
0x8: {  	[smem:$0x3FA3] =	sst s0  }
0x9: {  	[smem:$0x3FA4] =	sst s1  }
0xa: {  	[smem:$0x3FA5] =	sst s2  }
0xb: {  	[smem:$0x3FA6] =	sst s3  }
0xc: {  	[smem:$0x3FA7] =	sst s4  }
0xd: {  	[smem:$0x3FA8] =	sst s5  }
0xe: {  	[smem:$0x3FA9] =	sst s6  }
0xf: {  	[smem:$0x3FAA] =	sst s7  }
0x10: {  	[smem:$0x3FAB] =	sst s8  }
0x11: {  	[smem:$0x3FAC] =	sst s9;
	s0 =	simm.s32 @!p0 $0x0  }
0x12: {  	s1 =	sld [smem:$0x3F92];
	s0 =	simm.s32 @p0 $0x1  }
0x13: {  	[smem:$0x3FAD] =	sst s0;
	s0 =	simm.s32 @!p1 $0x0  }
0x14: {  	s2 =	sld [smem:$0x3F91];
	s0 =	simm.s32 @p1 $0x1  }
0x15: {  	[smem:$0x3FAE] =	sst s0;
	s0 =	simm.s32 @!p2 $0x0  }
0x16: {  	s3 =	sld [smem:$0x3FDB];
	s0 =	simm.s32 @p2 $0x1  }
0x17: {  	s4 =	simm.s32 $0x1BF5;
	[smem:$0x3FB0] =	sst s0  }
0x18: {  	s0 =	sld [smem:$0x3F93];
	_ =	swait.ge [sflag:s4], $0x0  }
0x19: {  	s7 =	sld [smem:$0x3F94]  }
0x1a: {  	s8 =	sadd.s32 $0xFFFFE003, lr  }
0x1b: {  	s9 =	sadd.s32 $0xFFFFFEF7, lr;
	s5 =	simm.s32 $0xFFFFFFFF;
	p2 =	slt.u32 s8, $0xFFFFF086  }
0x1c: {  	p1 =	slt.u32 s9, $0xF7A;
	s5 =	simm.s32 @!p2 $0x0  }
0x1d: {  	s5 =	simm.s32 @p1 $0x1;
	p0 =	seq.s32 s7, s2  }
0x1e: {  	s7 =	smul.u32 @!p0 $0xF7A, s2;
	p2 =	seq.s32 @!p0 s5, $0x0  }
0x1f: {  	s9 =	smul.u32 $0xF7A, s1;
	s8 =	simm.s32 @!p0 $0x1BF5;
	p2 =	por !p2, p0  }
0x20: {  	[sflag:s8] =	ssyncset.s32 @!p0 $0xFFFFF086;
	s6 =	sadd.s32 @!p0 s3, s7;
	s7 =	simm.s32 @!p0 $0x108  }
0x21: {  	s3 =	sadd.s32 s3, s9;
	s6 =	sadd.s32 @!p0 $0x88, s6;
	s7 =	simm.s32 @p2 $0x1082  }
0x22: {  	[simem:s7], [sflag:s8] =	dma.local @!p0 [hbm:s6], $0xF7A  }
0x23: {  	s9 =	sor.u32 $0xD0000000, s2;
	s6 =	simm.s32 $0x108;
	_ =	swait.ge @!p0 [sflag:s8], $0x0  }
0x24: {  	s3 =	sadd.s32 $0x88, s3;
	s6 =	simm.s32 @!p1 $0x1082;
	[sflag:s4] =	ssyncset.s32 $0xFFFFF086  }
0x25: {  	[simem:s6], [sflag:s4] =	dma.local [hbm:s3], $0xF7A  }
0x26: {  	[smem:$0x3F94] =	sst s1;
	(tag) =	ssettag s2;
	_ =	strace s9  }
0x27: {  	s1 =	sld [smem:$0x3FA4]  }
0x28: {  	s2 =	sld [smem:$0x3FA5]  }
0x29: {  	s4 =	sld [smem:$0x3FA7]  }
0x2a: {  	p0 =	seq.s32 s5, $0x0;
	s5 =	sld [smem:$0x3FA8]  }
0x2b: {  	s6 =	sld [smem:$0x3FA9]  }
0x2c: {  	s7 =	sld [smem:$0x3FAA]  }
0x2d: {  	s3 =	simm.s32 $0x108;
	s8 =	sld [smem:$0x3FAB]  }
0x2e: {  	s3 =	simm.s32 @!p0 $0x1082;
	s9 =	sld [smem:$0x3FAC]  }
0x2f: {  	lr =	sadd.s32 s0, s3;
	s0 =	sld [smem:$0x3FA3]  }
0x30: {  	s3 =	sld [smem:$0x3FA6]  }
0x31: {  	[smem:$0x3FAF] =	sst s10  }
0x32: {  	s10 =	sld [smem:$0x3FAD];
	_ =	sdelay $0x3  }
0x33: {  	p0 =	seq.s32 s10, $0x1;
	s10 =	sld [smem:$0x3FAF];
	_ =	sdelay $0x3  }
0x34: {  	[smem:$0x3FAF] =	sst s10  }
0x35: {  	s10 =	sld [smem:$0x3FAE];
	_ =	sdelay $0x3  }
0x36: {  	p1 =	seq.s32 s10, $0x1;
	s10 =	sld [smem:$0x3FAF];
	_ =	sdelay $0x3  }
0x37: {  	[smem:$0x3FAF] =	sst s10  }
0x38: {  	s10 =	sld [smem:$0x3FB0]  }
0x39: {  	_ = 	snop;
	(pc) =	sbr.ind lr, $3  }
0x3a: {  	_ = 	snop  }
0x3b: {  	_ = 	snop  }
0x3c: {  	p2 =	seq.s32 s10, $0x1;
	s10 =	sld [smem:$0x3FAF]  }
0x3d: {  	_ =	shalt  }
0x3e: {  	_ =	shalt  }
0x3f: {  	_ =	shalt  }
0x40: {  	_ =	shalt  }
0x41: {  	_ =	shalt  }
0x42: {  	_ =	shalt  }
0x43: {  	_ =	shalt  }
0x44: {  	_ =	shalt  }
0x45: {  	_ =	shalt  }
0x46: {  	_ =	shalt  }
0x47: {  	_ =	shalt  }
0x48: {  	_ =	shalt  }
0x49: {  	_ =	shalt  }
0x4a: {  	_ =	shalt  }
0x4b: {  	_ =	shalt  }
0x4c: {  	_ =	shalt  }
0x4d: {  	_ =	shalt  }
0x4e: {  	_ =	shalt  }
0x4f: {  	_ =	shalt  }
0x50: {  	_ =	shalt  }
0x51: {  	_ =	shalt  }
0x52: {  	_ =	shalt  }
0x53: {  	_ =	shalt  }
0x54: {  	_ =	shalt  }
0x55: {  	_ =	shalt  }
0x56: {  	_ =	shalt  }
0x57: {  	_ =	shalt  }
0x58: {  	_ =	shalt  }
0x59: {  	_ =	shalt  }
0x5a: {  	_ =	shalt  }
0x5b: {  	_ =	shalt  }
0x5c: {  	_ =	shalt  }
0x5d: {  	_ =	shalt  }
0x5e: {  	_ =	shalt  }
0x5f: {  	_ =	shalt  }
0x60: {  	_ =	shalt  }
0x61: {  	_ =	shalt  }
0x62: {  	_ =	shalt  }
0x63: {  	_ =	shalt  }
0x64: {  	_ =	shalt  }
0x65: {  	_ =	shalt  }
0x66: {  	_ =	shalt  }
0x67: {  	_ =	shalt  }
0x68: {  	_ =	shalt  }
0x69: {  	_ =	shalt  }
0x6a: {  	_ =	shalt  }
0x6b: {  	_ =	shalt  }
0x6c: {  	_ =	shalt  }
0x6d: {  	_ =	shalt  }
0x6e: {  	_ =	shalt  }
0x6f: {  	_ =	shalt  }
0x70: {  	_ =	shalt  }
0x71: {  	_ =	shalt  }
0x72: {  	_ =	shalt  }
0x73: {  	_ =	shalt  }
0x74: {  	_ =	shalt  }
0x75: {  	_ =	shalt  }
0x76: {  	_ =	shalt  }
0x77: {  	_ =	shalt  }
0x78: {  	_ =	shalt  }
0x79: {  	_ =	shalt  }
0x7a: {  	_ =	shalt  }
0x7b: {  	_ =	shalt  }
0x7c: {  	_ =	shalt  }
0x7d: {  	_ =	shalt  }
0x7e: {  	_ =	shalt  }
0x7f: {  	_ =	shalt  }
0x80: {  	_ =	shalt  }
0x81: {  	_ =	shalt  }
0x82: {  	_ =	shalt  }
0x83: {  	_ =	shalt  }
0x84: {  	_ =	shalt  }
0x85: {  	_ =	shalt  }
0x86: {  	_ =	shalt  }
0x87: {  	_ =	shalt  }
.Lfunc_end0:
.L_simem_size_0:
called_computation_lowered:
.L_overlay_start_0:
0x88: {  	s2 =	sld [smem:$0x3FD9]  }
0x89: {  	s3 =	sld [smem:$0x3FFE];
	_ =	sdelay $0x1  }
0x8a: {  	s1 =	srdreg.scid  }
0x8b: {  	s0 =	sand.u32 $0x1, s1  }
0x8c: {  	s17 =	sshll.u32 s0, $0xA;
	s2 =	sadd.s32 s3, s2  }
0x8d: {  	s2 =	sadd.s32 s2, s17  }
0x8e: {  	[smem:$0x3FBB] =	sst s2  }
0x8f: {  	_ = 	snop  }
0x90: {  	s2 =	sld [smem:$0x3FC9];
	(tm) =	ssettm $0x1  }
0x91: {  	s18 =	sld [smem:$0x3FFB];
	_ =	sdelay $0x3  }
0x92: {  	_ =	strace s18  }
0x93: {  	s3 =	sld [smem:$0x3FFC];
	_ =	sdelay $0x3  }
0x94: {  	_ =	strace s3  }
0x95: {  	s3 =	sld [smem:$0x3FFD];
	_ =	sdelay $0x3  }
0x96: {  	_ =	strace s3  }
0x97: {  	_ =	strace $0x8FFFFFFF  }
0x98: {  	s19 =	sld [smem:$0x3FDB];
	_ =	sdelay $0x1  }
0x99: {  	s4 =	simm.s32 $_scs_section_size  }
0x9a: {  	s5 =	simm.s32 $_size__tile_overlayer_lowered;
	s6 =	simm.s32 $_tile_overlayer_lowered  }
0x9b: {  	s22 =	simm.s32 $0x1BFF;
	s21 =	sshll.u32 s6, $0x1;
	s3 =	sadd.s32 s4, s19  }
0x9c: {  	s7 =	simm.s32 $0x0;
	s20 =	sshll.u32 s5, $0x1;
	s5 =	sadd.s32 s21, s3  }
0x9d: {  	[timem:s7], [sflag:s22] =	dma.local [hbm:s5], s20  }
0x9e: {  	_ =	swait.ge [sflag:s22], s20  }
0x9f: {  	s4 =	ssub.s32 $0x0, s20;
	[sflag:s22] =	ssyncset.done $0x0  }
0xa0: {  	[sflag:s22] =	ssyncadd.s32 s4;
	_ =	sdelay $0x1  }
0xa1: {  	s23 =	simm.s32 $0x1B8B  }
0xa2: {  	_ =	swait.ge [sflag:s23], $0x1  }
0xa3: {  	[sflag:s23] =	ssyncset.done $0x0  }
0xa4: {  	s25 =	simm.s32 $0x1B8E;
	s24 =	sld [smem:$0x3FFE];
	[sflag:s23] =	ssyncadd.s32 $0xFFFFFFFF  }
0xa5: {  	s26 =	simm.s32 $execute0_lowered;
	[smem:$0x3FD2] =	sst s25  }
0xa6: {  	s5 =	sshll.u32 s26, $0x1;
	_ =	strace $0x80000046;
	[dreg:$0x1] =	wrdreg $0xFFFFFFFF  }
0xa7: {  	s28 =	simm.s32 $_size_execute0_lowered;
	s3 =	sadd.s32 s3, s5;
	[dreg:$0x0] =	wrdreg $0x0  }
0xa8: {  	s5 =	sshll.u32 s28, $0x1;
	[dreg:$0x2] =	wrdreg s3  }
0xa9: {  	[dreg:$0x3] =	wrdreg s5  }
0xaa: {  	[dreg:$0x4] =	wrdreg $0xC0  }
0xab: {  	_ =	task [dreg:s7], $0x5FFFF  }
0xac: {  	[dreg:$0x1] =	wrdreg $0xFFFFFFFF  }
0xad: {  	[dreg:$0x0] =	wrdreg $0x60  }
0xae: {  	[dreg:$0x2] =	wrdreg s2  }
0xaf: {  	[dreg:$0x3] =	wrdreg s24  }
0xb0: {  	[dreg:$0x4] =	wrdreg $0x0  }
0xb1: {  	[dreg:$0x5] =	wrdreg $0x9  }
0xb2: {  	_ =	task.clear_ibuf [dreg:s7], $0x6FFFF;
	_ =	strace $0x90000046  }
0xb3: {  	s29 =	simm.s32 $0x9;
	_ =	strace $0x80000048  }
0xb4: {  	_ =	swait.ge [sflag:s29], $0x1  }
0xb5: {  	[sflag:s29] =	ssyncadd.s32 $0xFFFFFFFF  }
0xb6: {  	_ =	strace $0x90000048  }
0xb7: {  	_ =	sfence  }
0xb8: {  	s30 =	sld [smem:$0x0];
	_ =	sdelay $0x2  }
0xb9: {  	s31 =	sshll.u32 s1, $0xD;
	s1 =	sshrl.u32 s1, $0x2  }
0xba: {  	s3 =	sand.u32 $0x4000, s31;
	s1 =	sadd.s32 s1, s30  }
0xbb: {  	s0 =	sor.u32 s3, s0;
	s1 =	sshll.u32 s1, $0x11  }
0xbc: {  	s0 =	sor.u32 s1, s0  }
0xbd: {  	s0 =	sadd.s32 $0x8F2B, s0  }
0xbe: {  	[sflag:s0] =	ssyncadd.remote.s32 $0x1  }
0xbf: {  	_ =	sfence.sel $0xFFFF  }
0xc0: {  	[dreg:$0x0] =	wrdreg $0xFFFFFFFF;
	(pc) =	sbr.abs _section_cstart, $3  }
0xc1: {  	[dreg:$0x1] =	wrdreg $0xFFFFFFFF  }
0xc2: {  	_ =	task.clear_ibuf [dreg:s7], $0x2FFFF;
	_ =	strace $0x9FFFFFFF  }
0xc3: {  	(tm) =	ssettm $0x7FFFFFFF  }
tec
execute0_lowered:
.L_overlay_start_1:
0x0: {  	(tag) =	ssettag $0x1  }
0x1: {  	s1 =	rddreg [dreg:$0x0]  }
0x2: {  	s0 =	rddreg [dreg:$0x1]  }
0x3: {  	s3 =	rddreg [dreg:$0x2];
	s4 =	simm.s32 $0x0;
	s2 =	srdreg.scid  }
0x4: {  	s12 =	stileid.u32;
	s28 =	simm.s32 $0x13880;
	s29 =	simm.s32 $0x17480  }
0x5: {  	s30 =	simm.s32 $0x6;
	s14 =	simm.s32 $0x9;
	s31 =	simm.s32 $0x0  }
0x6: {  	[smem:$0x7FF] =	sst s4;
	s2 =	sand.u32 $0x1, s2;
	s16 =	sshll.u32 s12, $0x1  }
0x7: {  	s5 =	sadd.s32 $0xB800, s0;
	s6 =	sadd.s32 $0x1A00, s0;
	s8 =	smul.u32 $0x4E000, s12  }
0x8: {  	s0 =	sadd.s32 $0x15600, s0;
	s11 =	smul.u32 $0x13800, s12;
	s20 =	sadd.s32 $0x138000, s3  }
0x9: {  	s21 =	sadd.s32 $0x27000, s1;
	p0 =	sne.s32 s12, $0xF;
	s26 =	sshll.u32 s12, $0x6  }
0xa: {  	s12 =	simm.s32 $0x5;
	_ =	strace $0x80000047;
	[dreg:$0x8] =	wrdreg s20  }
0xb: {  	s4 =	sor.u32 s2, s16;
	s7 =	ssub.s32 $0x2, s2;
	[dreg:$0x9] =	wrdreg s21  }
0xc: {  	s2 =	smul.u32 $0x138800, s2;
	[dreg:$0xf] =	wrdreg s26;
	s20 =	sor.u32 $0x1C0B, s26  }
0xd: {  	s21 =	simm.s32 $0x1;
	s26 =	simm.s32 $0x2;
	s4 =	smul.u32 $0x2710, s4  }
0xe: {  	s9 =	sshrl.u32 s7, $0x1;
	s8 =	sshrl.u32 s8, $0x2;
	s19 =	sshrl.u32 s11, $0x3  }
0xf: {  	s7 =	ssub.s32 s7, s9;
	s8 =	sadd.s32 s8, s3;
	s22 =	sadd.s32 s11, s2  }
0x10: {  	s2 =	sshrl.u32 s2, $0x3;
	s9 =	simm.s32 $0x19C80;
	s10 =	sshrl.u32 s4, $0x3  }
0x11: {  	[dreg:$0x6] =	wrdreg s8;
	s8 =	sadd.s32 s1, s19;
	s4 =	sadd.s32 $0x1388, s4  }
0x12: {  	s23 =	sshrl.u32 s22, $0x3;
	s2 =	sadd.s32 s0, s2;
	s25 =	smax.u32 s7, $0x1  }
0x13: {  	s19 =	simm.s32 $0xB;
	s22 =	simm.s32 $0x28;
	s7 =	simm.s32 $0x4  }
0x14: {  	s17 =	sadd.s32 s5, s10;
	s18 =	sadd.s32 s6, s10;
	[dreg:$0x7] =	wrdreg s8  }
0x15: {  	s4 =	sshrl.u32 s4, $0x3;
	s0 =	sadd.s32 s0, s23;
	[dreg:$0xe] =	wrdreg s25  }
0x16: {  	s24 =	sadd.s32 $0x27000, s2;
	s23 =	simm.s32 $0x16080;
	[dreg:$0x4] =	wrdreg s17  }
.Ltmp0:
0x17: {  	s25 =	simm.s32 $0x1B080;
	[dreg:$0x5] =	wrdreg s18;
	(pc) =	sbr.rel .LBB2_1-.Ltmp0, $4  }
0x18: {  	s10 =	simm.s32 $0x8;
	s5 =	sadd.s32 s5, s4;
	[dreg:$0xc] =	wrdreg s0  }
0x19: {  	s4 =	sadd.s32 s6, s4;
	[dreg:$0xd] =	wrdreg s24;
	s18 =	simm.s32 $0x14C80  }
0x1a: {  	s0 =	simm.s32 $0x3;
	s24 =	simm.s32 $0xA;
	[dreg:$0xa] =	wrdreg s5  }
0x1b: {  	[dreg:$0xb] =	wrdreg s4;
	s4 =	simm.s32 $0x18880;
	s5 =	simm.s32 $0x7  }
.LBB2_7:
0x1c: {  	_ =	swait.ge [sflag:s12], $0x1400  }
0x1d: {  	[sflag:s12] =	ssyncset.done $0x0  }
0x1e: {  	[sflag:s12] =	ssyncadd.s32 $0xFFFFEC00  }
0x1f: {  	[spmem:s3] =	stream.indirect.scatter.add.f32 [tilespmem:s25], [sflag:$0xA], $0x80, s11, s22, $0xb8;
	[tilespmem:$0x1C480] =	vst v63  }
0x20: {  	_ =	swait.ge [sflag:s30], $0x1400  }
0x21: {  	[sflag:s30] =	ssyncset.done $0x0  }
0x22: {  	[sflag:s30] =	ssyncadd.s32 $0xFFFFEC00  }
0x23: {  	_ =	swait.ge [sflag:s5], $0x1400  }
0x24: {  	[sflag:s5] =	ssyncset.done $0x0  }
0x25: {  	[sflag:s5] =	ssyncadd.s32 $0xFFFFEC00  }
0x26: {  	_ =	swait.ge [sflag:s10], $0x1400  }
0x27: {  	[sflag:s10] =	ssyncset.done $0x0  }
0x28: {  	[sflag:s10] =	ssyncadd.s32 $0xFFFFEC00  }
0x29: {  	_ =	swait.ge [sflag:s14], $0x1400  }
0x2a: {  	[sflag:s14] =	ssyncset.done $0x0  }
0x2b: {  	[sflag:s14] =	ssyncadd.s32 $0xFFFFEC00  }
0x2c: {  	_ =	swait.ge [sflag:s24], $0x1400  }
0x2d: {  	[sflag:s24] =	ssyncset.done $0x0  }
0x2e: {  	[sflag:s24] =	ssyncadd.s32 $0xFFFFEC00  }
0x2f: {  	[bflag:$0x0] =	sbarrier.arrive $0xFFFF  }
0x30: {  	s6 =	rddreg [dreg:$0xf]  }
0x31: {  	s16 =	simm.s32 $0xC;
	s8 =	rddreg [dreg:$0xc];
	s6 =	sor.u32 $0x1C0C, s6  }
0x32: {  	[hbm:s8], [sflag:s6] =	dma.local [spmem:s2], $0x2700  }
0x33: {  	_ =	swait.ge [sflag:s16], $0x2700  }
0x34: {  	[sflag:s16] =	ssyncset.done $0x0  }
0x35: {  	s2 =	rddreg [dreg:$0xd];
	[sflag:s16] =	ssyncadd.s32 $0xFFFFD900  }
0x36: {  	[hbm:s2], [sflag:s6] =	dma.local @!p0 [spmem:s17], $0x100  }
0x37: {  	s2 =	simm.s32 @!p0 $0xC  }
0x38: {  	_ =	swait.ge @!p0 [sflag:s2], $0x100  }
0x39: {  	s31 =	sadd.s32 $0x1, s31;
	s17 =	rddreg [dreg:$0xe]  }
0x3a: {  	p1 =	sne.s32 s31, s17  }
.Ltmp1:
0x3b: {  	_ = 	snop;
	(pc) =	sbr.rel @!p1 .LBB2_8-.Ltmp1, $3  }
0x3c: {  	_ =	sdelay $0x1  }
0x3d: {  	[sflag:s2] =	ssyncset.done @!p0 $0x0  }
0x3e: {  	[sflag:s2] =	ssyncadd.s32 @!p0 $0xFFFFFF00  }
.LBB2_1:
0x3f: {  	s2 =	simm.s32 $0x0;
	s6 =	rddreg [dreg:$0x4]  }
0x40: {  	[tilespmem:s28], [sflag:$0xB] =	stream.linear.gather [hbm4b:s6+s2], $0x1388, $0x38;
	[tilespmem:$0x1C480] =	vst v63  }
0x41: {  	s8 =	rddreg [dreg:$0x5]  }
0x42: {  	[tilespmem:s18], [sflag:$0xB] =	stream.linear.gather [hbm4b:s8+s2], $0x1388, $0x38;
	[tilespmem:$0x1C480] =	vst v63  }
0x43: {  	_ =	swait.ge [sflag:s19], $0x1388  }
0x44: {  	[sflag:s19] =	ssyncset.done $0x0  }
0x45: {  	[sflag:s19] =	ssyncadd.s32 $0xFFFFEC78  }
0x46: {  	_ =	swait.ge [sflag:s19], $0x1388  }
0x47: {  	s6 =	simm.s32 @p0 $0x28;
	s11 =	rddreg [dreg:$0x6]  }
0x48: {  	s8 =	simm.s32 @p0 $0x13880;
	[sflag:s19] =	ssyncset.done $0x0;
	s13 =	rddreg [dreg:$0x7]  }
0x49: {  	[sflag:s19] =	ssyncadd.s32 $0xFFFFEC78;
	s2 =	sshrl.u32 s11, $0x3;
	s11 =	simm.s32 @p0 $0x16080  }
0x4a: {  	[spmem:s2], [sflag:s20] =	dma.local [hbm:s13], $0x2700  }
0x4b: {  	[tilespmem:s11], [sflag:$0x1] =	stream.indirect.gather @p0 [hbm4b:s1+s6], $0x80, s8, s6, $0xb8;
	[tilespmem:$0x1C480] =	vst v63  }
0x4c: {  	s8 =	simm.s32 @p0 $0x138A8;
	s11 =	simm.s32 @p0 $0x17480  }
0x4d: {  	[tilespmem:s11], [sflag:$0x2] =	stream.indirect.gather @p0 [hbm4b:s1+s6], $0x80, s8, s6, $0xb8;
	[tilespmem:$0x1C480] =	vst v63  }
0x4e: {  	s8 =	simm.s32 @p0 $0x138D0;
	s11 =	simm.s32 @p0 $0x18880  }
0x4f: {  	[tilespmem:s11], [sflag:$0x3] =	stream.indirect.gather @p0 [hbm4b:s1+s6], $0x80, s8, s6, $0xb8;
	[tilespmem:$0x1C480] =	vst v63  }
0x50: {  	s8 =	simm.s32 @p0 $0x138F8;
	s11 =	simm.s32 @p0 $0x19C80  }
0x51: {  	[tilespmem:s11], [sflag:$0x4] =	stream.indirect.gather @p0 [hbm4b:s1+s6], $0x80, s8, s6, $0xb8;
	[tilespmem:$0x1C480] =	vst v63  }
0x52: {  	s6 =	simm.s32 @p0 $0xB  }
0x53: {  	_ =	swait.ge @p0 [sflag:s6], $0x2700  }
0x54: {  	[sflag:s6] =	ssyncset.done @p0 $0x0  }
0x55: {  	[sflag:s6] =	ssyncadd.s32 @p0 $0xFFFFD900;
	s6 =	rddreg [dreg:$0x8]  }
0x56: {  	s17 =	sshrl.u32 @!p0 s6, $0x3;
	s6 =	rddreg [dreg:$0x9]  }
0x57: {  	[spmem:s17], [sflag:s20] =	dma.local @!p0 [hbm:s6], $0x100  }
0x58: {  	s8 =	simm.s32 @!p0 $0x13880;
	s11 =	simm.s32 @!p0 $0x16080;
	s6 =	simm.s32 @!p0 $0x28  }
0x59: {  	[tilespmem:s11], [sflag:$0x1] =	stream.indirect.gather @!p0 [hbm4b:s1+s6], $0x80, s8, s6, $0xb8;
	[tilespmem:$0x1C480] =	vst v63  }
0x5a: {  	s8 =	simm.s32 @!p0 $0x138A8;
	s11 =	simm.s32 @!p0 $0x17480  }
0x5b: {  	[tilespmem:s11], [sflag:$0x2] =	stream.indirect.gather @!p0 [hbm4b:s1+s6], $0x80, s8, s6, $0xb8;
	[tilespmem:$0x1C480] =	vst v63  }
0x5c: {  	s8 =	simm.s32 @!p0 $0x138D0;
	s11 =	simm.s32 @!p0 $0x18880  }
0x5d: {  	[tilespmem:s11], [sflag:$0x3] =	stream.indirect.gather @!p0 [hbm4b:s1+s6], $0x80, s8, s6, $0xb8;
	[tilespmem:$0x1C480] =	vst v63  }
0x5e: {  	s8 =	simm.s32 @!p0 $0x138F8;
	s11 =	simm.s32 @!p0 $0x19C80  }
0x5f: {  	[tilespmem:s11], [sflag:$0x4] =	stream.indirect.gather @!p0 [hbm4b:s1+s6], $0x80, s8, s6, $0xb8;
	[tilespmem:$0x1C480] =	vst v63  }
0x60: {  	s6 =	simm.s32 @!p0 $0xB  }
0x61: {  	_ =	swait.ge @!p0 [sflag:s6], $0x2700  }
0x62: {  	[sflag:s6] =	ssyncset.done @!p0 $0x0  }
0x63: {  	[sflag:s6] =	ssyncadd.s32 @!p0 $0xFFFFD900  }
0x64: {  	_ =	swait.ge @!p0 [sflag:s6], $0x100  }
0x65: {  	[sflag:s6] =	ssyncset.done @!p0 $0x0  }
0x66: {  	[sflag:s6] =	ssyncadd.s32 @!p0 $0xFFFFFF00  }
0x67: {  	[bflag:$0x0] =	sbarrier.arrive $0xFFFF  }
0x68: {  	_ =	swait.ge [sflag:s21], $0x1400  }
0x69: {  	[sflag:s21] =	ssyncset.done $0x0  }
0x6a: {  	[sflag:s21] =	ssyncadd.s32 $0xFFFFEC00  }
0x6b: {  	[spmem:s3] =	stream.indirect.scatter.add.f32 [tilespmem:s23], [sflag:$0x6], $0x80, s18, s22, $0xb8;
	[tilespmem:$0x1C480] =	vst v63  }
0x6c: {  	s15 =	simm.s32 $0x13920  }
0x6d: {  	[tilespmem:s25], [sflag:$0x5] =	stream.indirect.gather [hbm4b:s1+s22], $0x80, s15, s22, $0xb8;
	[tilespmem:$0x1C480] =	vst v63  }
0x6e: {  	_ =	swait.ge [sflag:s26], $0x1400  }
0x6f: {  	[sflag:s26] =	ssyncset.done $0x0  }
0x70: {  	s16 =	simm.s32 $0x14CA8;
	[sflag:s26] =	ssyncadd.s32 $0xFFFFEC00  }
0x71: {  	[spmem:s3] =	stream.indirect.scatter.add.f32 [tilespmem:s29], [sflag:$0x7], $0x80, s16, s22, $0xb8;
	[tilespmem:$0x1C480] =	vst v63  }
0x72: {  	_ =	swait.ge [sflag:s30], $0x1400  }
0x73: {  	[sflag:s30] =	ssyncset.done $0x0  }
0x74: {  	s28 =	simm.s32 $0x13948;
	[sflag:s30] =	ssyncadd.s32 $0xFFFFEC00  }
0x75: {  	[tilespmem:s23], [sflag:$0x1] =	stream.indirect.gather [hbm4b:s1+s22], $0x80, s28, s22, $0xb8;
	[tilespmem:$0x1C480] =	vst v63  }
0x76: {  	_ =	swait.ge [sflag:s0], $0x1400  }
0x77: {  	[sflag:s0] =	ssyncset.done $0x0  }
0x78: {  	s8 =	simm.s32 $0x14CD0;
	[sflag:s0] =	ssyncadd.s32 $0xFFFFEC00  }
0x79: {  	[spmem:s3] =	stream.indirect.scatter.add.f32 [tilespmem:s4], [sflag:$0x8], $0x80, s8, s22, $0xb8;
	[tilespmem:$0x1C480] =	vst v63  }
0x7a: {  	_ =	swait.ge [sflag:s5], $0x1400  }
0x7b: {  	[sflag:s5] =	ssyncset.done $0x0  }
0x7c: {  	s11 =	simm.s32 $0x13970;
	[sflag:s5] =	ssyncadd.s32 $0xFFFFEC00  }
0x7d: {  	[tilespmem:s29], [sflag:$0x2] =	stream.indirect.gather [hbm4b:s1+s22], $0x80, s11, s22, $0xb8;
	[tilespmem:$0x1C480] =	vst v63  }
0x7e: {  	_ =	swait.ge [sflag:s7], $0x1400  }
0x7f: {  	[sflag:s7] =	ssyncset.done $0x0  }
0x80: {  	s13 =	simm.s32 $0x14CF8;
	[sflag:s7] =	ssyncadd.s32 $0xFFFFEC00  }
0x81: {  	[spmem:s3] =	stream.indirect.scatter.add.f32 [tilespmem:s9], [sflag:$0x9], $0x80, s13, s22, $0xb8;
	[tilespmem:$0x1C480] =	vst v63  }
0x82: {  	_ =	swait.ge [sflag:s10], $0x1400  }
0x83: {  	[sflag:s10] =	ssyncset.done $0x0  }
0x84: {  	s15 =	simm.s32 $0x13998;
	[sflag:s10] =	ssyncadd.s32 $0xFFFFEC00  }
0x85: {  	[tilespmem:s4], [sflag:$0x3] =	stream.indirect.gather [hbm4b:s1+s22], $0x80, s15, s22, $0xb8;
	[tilespmem:$0x1C480] =	vst v63  }
0x86: {  	_ =	swait.ge [sflag:s12], $0x1400  }
0x87: {  	[sflag:s12] =	ssyncset.done $0x0  }
0x88: {  	s16 =	simm.s32 $0x14D20;
	[sflag:s12] =	ssyncadd.s32 $0xFFFFEC00  }
0x89: {  	[spmem:s3] =	stream.indirect.scatter.add.f32 [tilespmem:s25], [sflag:$0xA], $0x80, s16, s22, $0xb8;
	[tilespmem:$0x1C480] =	vst v63  }
0x8a: {  	_ =	swait.ge [sflag:s14], $0x1400  }
0x8b: {  	[sflag:s14] =	ssyncset.done $0x0  }
0x8c: {  	s6 =	simm.s32 $0x0;
	s28 =	simm.s32 $0x139C0;
	[sflag:s14] =	ssyncadd.s32 $0xFFFFEC00  }
0x8d: {  	[tilespmem:s9], [sflag:$0x4] =	stream.indirect.gather [hbm4b:s1+s22], $0x80, s28, s22, $0xb8;
	[tilespmem:$0x1C480] =	vst v63  }
.LBB2_2:
0x8e: {  	_ =	swait.ge [sflag:s21], $0x1400  }
0x8f: {  	s8 =	sshra.s32 s6, $0x2;
	[sflag:s21] =	ssyncset.done $0x0  }
0x90: {  	s11 =	sadd.s32 $0x14D48, s8;
	[sflag:s21] =	ssyncadd.s32 $0xFFFFEC00  }
0x91: {  	[spmem:s3] =	stream.indirect.scatter.add.f32 [tilespmem:s23], [sflag:$0x6], $0x80, s11, s22, $0xb8;
	[tilespmem:$0x1C480] =	vst v63  }
0x92: {  	_ =	swait.ge [sflag:s24], $0x1400  }
0x93: {  	[sflag:s24] =	ssyncset.done $0x0  }
0x94: {  	s15 =	sadd.s32 $0x139E8, s8;
	[sflag:s24] =	ssyncadd.s32 $0xFFFFEC00  }
0x95: {  	[tilespmem:s25], [sflag:$0x5] =	stream.indirect.gather [hbm4b:s1+s22], $0x80, s15, s22, $0xb8;
	[tilespmem:$0x1C480] =	vst v63  }
0x96: {  	_ =	swait.ge [sflag:s26], $0x1400  }
0x97: {  	p1 =	seq.s32 s6, $0x47E0;
	[sflag:s26] =	ssyncset.done $0x0  }
0x98: {  	s16 =	sadd.s32 $0x14D70, s8;
	s11 =	simm.s32 @p1 $0x3;
	[sflag:s26] =	ssyncadd.s32 $0xFFFFEC00  }
0x99: {  	[spmem:s3] =	stream.indirect.scatter.add.f32 [tilespmem:s29], [sflag:$0x7], $0x80, s16, s22, $0xb8;
	[tilespmem:$0x1C480] =	vst v63  }
0x9a: {  	_ =	swait.ge @p1 [sflag:s11], $0x1400  }
0x9b: {  	[sflag:s11] =	ssyncset.done @p1 $0x0  }
0x9c: {  	[sflag:s11] =	ssyncadd.s32 @p1 $0xFFFFEC00;
	s11 =	sshra.s32 @p1 s6, $0x2  }
0x9d: {  	s13 =	simm.s32 @p1 $0x28;
	s15 =	simm.s32 @p1 $0x18880;
	s11 =	sadd.s32 @p1 $0x14D98, s11  }
0x9e: {  	[spmem:s3] =	stream.indirect.scatter.add.f32 @p1 [tilespmem:s15], [sflag:$0x8], $0x80, s11, s13, $0xb8;
	[tilespmem:$0x1C480] =	vst v63  }
0x9f: {  	s11 =	simm.s32 @!p1 $0x6  }
0xa0: {  	_ =	swait.ge @!p1 [sflag:s11], $0x1400  }
0xa1: {  	[sflag:s11] =	ssyncset.done @!p1 $0x0  }
0xa2: {  	[sflag:s11] =	ssyncadd.s32 @!p1 $0xFFFFEC00;
	s11 =	sshra.s32 @!p1 s6, $0x2  }
0xa3: {  	s16 =	simm.s32 @!p1 $0x16080;
	s15 =	simm.s32 @!p1 $0x28;
	s13 =	sadd.s32 @!p1 $0x13A10, s11  }
0xa4: {  	[tilespmem:s16], [sflag:$0x1] =	stream.indirect.gather @!p1 [hbm4b:s1+s15], $0x80, s13, s15, $0xb8;
	[tilespmem:$0x1C480] =	vst v63  }
0xa5: {  	s13 =	simm.s32 @!p1 $0x3  }
0xa6: {  	_ =	swait.ge @!p1 [sflag:s13], $0x1400  }
0xa7: {  	[sflag:s13] =	ssyncset.done @!p1 $0x0  }
0xa8: {  	s16 =	simm.s32 @!p1 $0x18880;
	[sflag:s13] =	ssyncadd.s32 @!p1 $0xFFFFEC00;
	s13 =	sadd.s32 @!p1 $0x14D98, s11  }
0xa9: {  	[spmem:s3] =	stream.indirect.scatter.add.f32 @!p1 [tilespmem:s16], [sflag:$0x8], $0x80, s13, s15, $0xb8;
	[tilespmem:$0x1C480] =	vst v63  }
0xaa: {  	s13 =	simm.s32 @!p1 $0x7  }
0xab: {  	_ =	swait.ge @!p1 [sflag:s13], $0x1400  }
0xac: {  	[sflag:s13] =	ssyncset.done @!p1 $0x0  }
0xad: {  	s11 =	sadd.s32 @!p1 $0x13A38, s11;
	[sflag:s13] =	ssyncadd.s32 @!p1 $0xFFFFEC00;
	s13 =	simm.s32 @!p1 $0x17480  }
0xae: {  	[tilespmem:s13], [sflag:$0x2] =	stream.indirect.gather @!p1 [hbm4b:s1+s15], $0x80, s11, s15, $0xb8;
	[tilespmem:$0x1C480] =	vst v63  }
.Ltmp2:
0xaf: {  	_ = 	snop;
	(pc) =	sbr.rel @p1 .LBB2_4-.Ltmp2, $4  }
0xb0: {  	_ =	swait.ge [sflag:s7], $0x1400  }
0xb1: {  	[sflag:s7] =	ssyncset.done $0x0  }
0xb2: {  	s28 =	sadd.s32 $0x14DC0, s8;
	s11 =	sadd.s32 $0x14DE8, s8;
	[sflag:s7] =	ssyncadd.s32 $0xFFFFEC00  }
0xb3: {  	[spmem:s3] =	stream.indirect.scatter.add.f32 [tilespmem:s9], [sflag:$0x9], $0x80, s28, s22, $0xb8;
	[tilespmem:$0x1C480] =	vst v63  }
0xb4: {  	_ =	swait.ge [sflag:s10], $0x1400  }
0xb5: {  	[sflag:s10] =	ssyncset.done $0x0  }
0xb6: {  	s13 =	sadd.s32 $0x13A60, s8;
	[sflag:s10] =	ssyncadd.s32 $0xFFFFEC00  }
0xb7: {  	[tilespmem:s4], [sflag:$0x3] =	stream.indirect.gather [hbm4b:s1+s22], $0x80, s13, s22, $0xb8;
	[tilespmem:$0x1C480] =	vst v63  }
0xb8: {  	_ =	swait.ge [sflag:s12], $0x1400  }
0xb9: {  	[sflag:s12] =	ssyncset.done $0x0  }
0xba: {  	[sflag:s12] =	ssyncadd.s32 $0xFFFFEC00  }
0xbb: {  	[spmem:s3] =	stream.indirect.scatter.add.f32 [tilespmem:s25], [sflag:$0xA], $0x80, s11, s22, $0xb8;
	[tilespmem:$0x1C480] =	vst v63  }
.Ltmp3:
0xbc: {  	_ = 	snop;
	(pc) =	sbr.rel .LBB2_2-.Ltmp3, $4  }
0xbd: {  	_ =	swait.ge [sflag:s14], $0x1400  }
0xbe: {  	[sflag:s14] =	ssyncset.done $0x0  }
0xbf: {  	s28 =	sadd.s32 $0x13A88, s8;
	s6 =	sadd.s32 $0x320, s6;
	[sflag:s14] =	ssyncadd.s32 $0xFFFFEC00  }
0xc0: {  	[tilespmem:s9], [sflag:$0x4] =	stream.indirect.gather [hbm4b:s1+s22], $0x80, s28, s22, $0xb8;
	[tilespmem:$0x1C480] =	vst v63  }
.LBB2_4:
0xc1: {  	_ =	swait.ge [sflag:s12], $0x1400  }
0xc2: {  	[sflag:s12] =	ssyncset.done $0x0  }
0xc3: {  	[sflag:s12] =	ssyncadd.s32 $0xFFFFEC00  }
0xc4: {  	[spmem:s3] =	stream.indirect.scatter.add.f32 [tilespmem:s25], [sflag:$0xA], $0x80, s11, s22, $0xb8;
	[tilespmem:$0x1C480] =	vst v63  }
0xc5: {  	_ =	swait.ge [sflag:s30], $0x1400  }
0xc6: {  	[sflag:s30] =	ssyncset.done $0x0  }
0xc7: {  	[sflag:s30] =	ssyncadd.s32 $0xFFFFEC00  }
0xc8: {  	_ =	swait.ge [sflag:s5], $0x1400  }
0xc9: {  	[sflag:s5] =	ssyncset.done $0x0  }
0xca: {  	[sflag:s5] =	ssyncadd.s32 $0xFFFFEC00  }
0xcb: {  	_ =	swait.ge [sflag:s10], $0x1400  }
0xcc: {  	[sflag:s10] =	ssyncset.done $0x0  }
0xcd: {  	[sflag:s10] =	ssyncadd.s32 $0xFFFFEC00  }
0xce: {  	_ =	swait.ge [sflag:s14], $0x1400  }
0xcf: {  	[sflag:s14] =	ssyncset.done $0x0  }
0xd0: {  	[sflag:s14] =	ssyncadd.s32 $0xFFFFEC00  }
0xd1: {  	_ =	swait.ge [sflag:s24], $0x1400  }
0xd2: {  	s6 =	simm.s32 $0x0;
	[sflag:s24] =	ssyncset.done $0x0  }
0xd3: {  	s15 =	simm.s32 $0x13880;
	s8 =	rddreg [dreg:$0xa];
	[sflag:s24] =	ssyncadd.s32 $0xFFFFEC00  }
0xd4: {  	[tilespmem:s15], [sflag:$0xB] =	stream.linear.gather [hbm4b:s8+s6], $0x1388, $0x38;
	[tilespmem:$0x1C480] =	vst v63  }
0xd5: {  	s16 =	rddreg [dreg:$0xb]  }
0xd6: {  	[tilespmem:s18], [sflag:$0xB] =	stream.linear.gather [hbm4b:s16+s6], $0x1388, $0x38;
	[tilespmem:$0x1C480] =	vst v63  }
0xd7: {  	_ =	swait.ge [sflag:s19], $0x1388  }
0xd8: {  	[sflag:s19] =	ssyncset.done $0x0  }
0xd9: {  	[sflag:s19] =	ssyncadd.s32 $0xFFFFEC78  }
0xda: {  	_ =	swait.ge [sflag:s19], $0x1388  }
0xdb: {  	[sflag:s19] =	ssyncset.done $0x0  }
0xdc: {  	[sflag:s19] =	ssyncadd.s32 $0xFFFFEC78  }
0xdd: {  	[tilespmem:s23], [sflag:$0x1] =	stream.indirect.gather [hbm4b:s1+s22], $0x80, s15, s22, $0xb8;
	[tilespmem:$0x1C480] =	vst v63  }
0xde: {  	s11 =	simm.s32 $0x138A8  }
0xdf: {  	[tilespmem:s29], [sflag:$0x2] =	stream.indirect.gather [hbm4b:s1+s22], $0x80, s11, s22, $0xb8;
	[tilespmem:$0x1C480] =	vst v63  }
0xe0: {  	s13 =	simm.s32 $0x138D0  }
0xe1: {  	[tilespmem:s4], [sflag:$0x3] =	stream.indirect.gather [hbm4b:s1+s22], $0x80, s13, s22, $0xb8;
	[tilespmem:$0x1C480] =	vst v63  }
0xe2: {  	s15 =	simm.s32 $0x138F8  }
0xe3: {  	[tilespmem:s9], [sflag:$0x4] =	stream.indirect.gather [hbm4b:s1+s22], $0x80, s15, s22, $0xb8;
	[tilespmem:$0x1C480] =	vst v63  }
0xe4: {  	_ =	swait.ge [sflag:s21], $0x1400  }
0xe5: {  	[sflag:s21] =	ssyncset.done $0x0  }
0xe6: {  	[sflag:s21] =	ssyncadd.s32 $0xFFFFEC00  }
0xe7: {  	[spmem:s3] =	stream.indirect.scatter.add.f32 [tilespmem:s23], [sflag:$0x6], $0x80, s18, s22, $0xb8;
	[tilespmem:$0x1C480] =	vst v63  }
0xe8: {  	s16 =	simm.s32 $0x13920  }
0xe9: {  	[tilespmem:s25], [sflag:$0x5] =	stream.indirect.gather [hbm4b:s1+s22], $0x80, s16, s22, $0xb8;
	[tilespmem:$0x1C480] =	vst v63  }
0xea: {  	_ =	swait.ge [sflag:s26], $0x1400  }
0xeb: {  	[sflag:s26] =	ssyncset.done $0x0  }
0xec: {  	s11 =	simm.s32 $0x14CA8;
	[sflag:s26] =	ssyncadd.s32 $0xFFFFEC00  }
0xed: {  	[spmem:s3] =	stream.indirect.scatter.add.f32 [tilespmem:s29], [sflag:$0x7], $0x80, s11, s22, $0xb8;
	[tilespmem:$0x1C480] =	vst v63  }
0xee: {  	_ =	swait.ge [sflag:s30], $0x1400  }
0xef: {  	[sflag:s30] =	ssyncset.done $0x0  }
0xf0: {  	s13 =	simm.s32 $0x13948;
	[sflag:s30] =	ssyncadd.s32 $0xFFFFEC00  }
0xf1: {  	[tilespmem:s23], [sflag:$0x1] =	stream.indirect.gather [hbm4b:s1+s22], $0x80, s13, s22, $0xb8;
	[tilespmem:$0x1C480] =	vst v63  }
0xf2: {  	_ =	swait.ge [sflag:s0], $0x1400  }
0xf3: {  	[sflag:s0] =	ssyncset.done $0x0  }
0xf4: {  	s15 =	simm.s32 $0x14CD0;
	[sflag:s0] =	ssyncadd.s32 $0xFFFFEC00  }
0xf5: {  	[spmem:s3] =	stream.indirect.scatter.add.f32 [tilespmem:s4], [sflag:$0x8], $0x80, s15, s22, $0xb8;
	[tilespmem:$0x1C480] =	vst v63  }
0xf6: {  	_ =	swait.ge [sflag:s5], $0x1400  }
0xf7: {  	[sflag:s5] =	ssyncset.done $0x0  }
0xf8: {  	s16 =	simm.s32 $0x13970;
	[sflag:s5] =	ssyncadd.s32 $0xFFFFEC00  }
0xf9: {  	[tilespmem:s29], [sflag:$0x2] =	stream.indirect.gather [hbm4b:s1+s22], $0x80, s16, s22, $0xb8;
	[tilespmem:$0x1C480] =	vst v63  }
0xfa: {  	_ =	swait.ge [sflag:s7], $0x1400  }
0xfb: {  	[sflag:s7] =	ssyncset.done $0x0  }
0xfc: {  	s11 =	simm.s32 $0x14CF8;
	[sflag:s7] =	ssyncadd.s32 $0xFFFFEC00  }
0xfd: {  	[spmem:s3] =	stream.indirect.scatter.add.f32 [tilespmem:s9], [sflag:$0x9], $0x80, s11, s22, $0xb8;
	[tilespmem:$0x1C480] =	vst v63  }
0xfe: {  	_ =	swait.ge [sflag:s10], $0x1400  }
0xff: {  	[sflag:s10] =	ssyncset.done $0x0  }
0x100: {  	s13 =	simm.s32 $0x13998;
	[sflag:s10] =	ssyncadd.s32 $0xFFFFEC00  }
0x101: {  	[tilespmem:s4], [sflag:$0x3] =	stream.indirect.gather [hbm4b:s1+s22], $0x80, s13, s22, $0xb8;
	[tilespmem:$0x1C480] =	vst v63  }
0x102: {  	_ =	swait.ge [sflag:s12], $0x1400  }
0x103: {  	[sflag:s12] =	ssyncset.done $0x0  }
0x104: {  	s15 =	simm.s32 $0x14D20;
	[sflag:s12] =	ssyncadd.s32 $0xFFFFEC00  }
0x105: {  	[spmem:s3] =	stream.indirect.scatter.add.f32 [tilespmem:s25], [sflag:$0xA], $0x80, s15, s22, $0xb8;
	[tilespmem:$0x1C480] =	vst v63  }
0x106: {  	_ =	swait.ge [sflag:s14], $0x1400  }
0x107: {  	[sflag:s14] =	ssyncset.done $0x0  }
0x108: {  	s28 =	simm.s32 $0x13880;
	s16 =	simm.s32 $0x139C0;
	[sflag:s14] =	ssyncadd.s32 $0xFFFFEC00  }
0x109: {  	[tilespmem:s9], [sflag:$0x4] =	stream.indirect.gather [hbm4b:s1+s22], $0x80, s16, s22, $0xb8;
	[tilespmem:$0x1C480] =	vst v63  }
.LBB2_5:
0x10a: {  	_ =	swait.ge [sflag:s21], $0x1400  }
0x10b: {  	s8 =	sshra.s32 s6, $0x2;
	[sflag:s21] =	ssyncset.done $0x0  }
0x10c: {  	s11 =	sadd.s32 $0x14D48, s8;
	[sflag:s21] =	ssyncadd.s32 $0xFFFFEC00  }
0x10d: {  	[spmem:s3] =	stream.indirect.scatter.add.f32 [tilespmem:s23], [sflag:$0x6], $0x80, s11, s22, $0xb8;
	[tilespmem:$0x1C480] =	vst v63  }
0x10e: {  	_ =	swait.ge [sflag:s24], $0x1400  }
0x10f: {  	[sflag:s24] =	ssyncset.done $0x0  }
0x110: {  	s13 =	sadd.s32 $0x139E8, s8;
	[sflag:s24] =	ssyncadd.s32 $0xFFFFEC00  }
0x111: {  	[tilespmem:s25], [sflag:$0x5] =	stream.indirect.gather [hbm4b:s1+s22], $0x80, s13, s22, $0xb8;
	[tilespmem:$0x1C480] =	vst v63  }
0x112: {  	_ =	swait.ge [sflag:s26], $0x1400  }
0x113: {  	p1 =	seq.s32 s6, $0x47E0;
	[sflag:s26] =	ssyncset.done $0x0  }
0x114: {  	s15 =	sadd.s32 $0x14D70, s8;
	s11 =	simm.s32 @p1 $0x3;
	[sflag:s26] =	ssyncadd.s32 $0xFFFFEC00  }
0x115: {  	[spmem:s3] =	stream.indirect.scatter.add.f32 [tilespmem:s29], [sflag:$0x7], $0x80, s15, s22, $0xb8;
	[tilespmem:$0x1C480] =	vst v63  }
0x116: {  	_ =	swait.ge @p1 [sflag:s11], $0x1400  }
0x117: {  	[sflag:s11] =	ssyncset.done @p1 $0x0  }
0x118: {  	[sflag:s11] =	ssyncadd.s32 @p1 $0xFFFFEC00;
	s11 =	sshra.s32 @p1 s6, $0x2  }
0x119: {  	s13 =	simm.s32 @p1 $0x28;
	s15 =	simm.s32 @p1 $0x18880;
	s11 =	sadd.s32 @p1 $0x14D98, s11  }
0x11a: {  	[spmem:s3] =	stream.indirect.scatter.add.f32 @p1 [tilespmem:s15], [sflag:$0x8], $0x80, s11, s13, $0xb8;
	[tilespmem:$0x1C480] =	vst v63  }
0x11b: {  	s11 =	simm.s32 @!p1 $0x6  }
0x11c: {  	_ =	swait.ge @!p1 [sflag:s11], $0x1400  }
0x11d: {  	[sflag:s11] =	ssyncset.done @!p1 $0x0  }
0x11e: {  	[sflag:s11] =	ssyncadd.s32 @!p1 $0xFFFFEC00;
	s11 =	sshra.s32 @!p1 s6, $0x2  }
0x11f: {  	s16 =	simm.s32 @!p1 $0x16080;
	s15 =	simm.s32 @!p1 $0x28;
	s13 =	sadd.s32 @!p1 $0x13A10, s11  }
0x120: {  	[tilespmem:s16], [sflag:$0x1] =	stream.indirect.gather @!p1 [hbm4b:s1+s15], $0x80, s13, s15, $0xb8;
	[tilespmem:$0x1C480] =	vst v63  }
0x121: {  	s13 =	simm.s32 @!p1 $0x3  }
0x122: {  	_ =	swait.ge @!p1 [sflag:s13], $0x1400  }
0x123: {  	[sflag:s13] =	ssyncset.done @!p1 $0x0  }
0x124: {  	s16 =	simm.s32 @!p1 $0x18880;
	[sflag:s13] =	ssyncadd.s32 @!p1 $0xFFFFEC00;
	s13 =	sadd.s32 @!p1 $0x14D98, s11  }
0x125: {  	[spmem:s3] =	stream.indirect.scatter.add.f32 @!p1 [tilespmem:s16], [sflag:$0x8], $0x80, s13, s15, $0xb8;
	[tilespmem:$0x1C480] =	vst v63  }
0x126: {  	s13 =	simm.s32 @!p1 $0x7  }
0x127: {  	_ =	swait.ge @!p1 [sflag:s13], $0x1400  }
0x128: {  	[sflag:s13] =	ssyncset.done @!p1 $0x0  }
0x129: {  	s11 =	sadd.s32 @!p1 $0x13A38, s11;
	[sflag:s13] =	ssyncadd.s32 @!p1 $0xFFFFEC00;
	s13 =	simm.s32 @!p1 $0x17480  }
0x12a: {  	[tilespmem:s13], [sflag:$0x2] =	stream.indirect.gather @!p1 [hbm4b:s1+s15], $0x80, s11, s15, $0xb8;
	[tilespmem:$0x1C480] =	vst v63  }
.Ltmp4:
0x12b: {  	_ = 	snop;
	(pc) =	sbr.rel @p1 .LBB2_7-.Ltmp4, $4  }
0x12c: {  	_ =	swait.ge [sflag:s7], $0x1400  }
0x12d: {  	[sflag:s7] =	ssyncset.done $0x0  }
0x12e: {  	s16 =	sadd.s32 $0x14DC0, s8;
	s11 =	sadd.s32 $0x14DE8, s8;
	[sflag:s7] =	ssyncadd.s32 $0xFFFFEC00  }
0x12f: {  	[spmem:s3] =	stream.indirect.scatter.add.f32 [tilespmem:s9], [sflag:$0x9], $0x80, s16, s22, $0xb8;
	[tilespmem:$0x1C480] =	vst v63  }
0x130: {  	_ =	swait.ge [sflag:s10], $0x1400  }
0x131: {  	[sflag:s10] =	ssyncset.done $0x0  }
0x132: {  	s13 =	sadd.s32 $0x13A60, s8;
	[sflag:s10] =	ssyncadd.s32 $0xFFFFEC00  }
0x133: {  	[tilespmem:s4], [sflag:$0x3] =	stream.indirect.gather [hbm4b:s1+s22], $0x80, s13, s22, $0xb8;
	[tilespmem:$0x1C480] =	vst v63  }
0x134: {  	_ =	swait.ge [sflag:s12], $0x1400  }
0x135: {  	[sflag:s12] =	ssyncset.done $0x0  }
0x136: {  	[sflag:s12] =	ssyncadd.s32 $0xFFFFEC00  }
0x137: {  	[spmem:s3] =	stream.indirect.scatter.add.f32 [tilespmem:s25], [sflag:$0xA], $0x80, s11, s22, $0xb8;
	[tilespmem:$0x1C480] =	vst v63  }
.Ltmp5:
0x138: {  	_ = 	snop;
	(pc) =	sbr.rel .LBB2_5-.Ltmp5, $4  }
0x139: {  	_ =	swait.ge [sflag:s14], $0x1400  }
0x13a: {  	[sflag:s14] =	ssyncset.done $0x0  }
0x13b: {  	s16 =	sadd.s32 $0x13A88, s8;
	s6 =	sadd.s32 $0x320, s6;
	[sflag:s14] =	ssyncadd.s32 $0xFFFFEC00  }
0x13c: {  	[tilespmem:s9], [sflag:$0x4] =	stream.indirect.gather [hbm4b:s1+s22], $0x80, s16, s22, $0xb8;
	[tilespmem:$0x1C480] =	vst v63  }
.LBB2_8:
0x13d: {  	_ =	sfence.sel $0x180000  }
0x13e: {  	[bflag:$0x0] =	sbarrier.arrive $0xFFFF  }
0x13f: {  	_ =	strace $0x90000047  }
0x140: {  	s0 =	stileid.u32;
	[bflag:$0x2] =	sbarrier.arrive $0xFFFF  }
0x141: {  	p0 =	sne.s32 s0, $0x0;
	s0 =	rddreg [dreg:$0x3]  }
0x142: {  	s0 =	sadd.s32 @!p0 $0x100000, s0  }
0x143: {  	[sflag:s0] =	ssyncadd.tile.s32 @!p0 $0x1;
	_ =	shalt  }
.Lfunc_end2:
_tile_overlayer_lowered:
.L_overlay_start_2:
0x144: {  	(tag) =	ssettag $0x2  }
0x145: {  	s0 =	rddreg [dreg:$0x0];
	s2 =	stileid.u32  }
0x146: {  	s1 =	rddreg [dreg:$0x1];
	p0 =	sne.s32 s2, $0x0  }
0x147: {  	s3 =	rddreg [dreg:$0x2];
	[bflag:$0x3] =	sbarrier.arrive $0xFFFF;
	s2 =	simm.s32 @!p0 $0x1C0C  }
0x148: {  	[timem:s3], [sflag:s2] =	dma.local @!p0 [hbm:s0], s1  }
0x149: {  	s0 =	simm.s32 @!p0 $0xC  }
0x14a: {  	_ =	swait.ge @!p0 [sflag:s0], s1  }
0x14b: {  	s1 =	ssub.s32 @!p0 $0x0, s1;
	[sflag:s0] =	ssyncset.done @!p0 $0x0  }
0x14c: {  	[sflag:s0] =	ssyncadd.s32 @!p0 s1  }
0x14d: {  	[bflag:$0x3] =	sbarrier.arrive $0xFFFF  }
0x14e: {  	_ =	shalt  }

</sc_bundles>
